<compile_context>
chip_gen: v7x
topology: tpu7x:2x2x1
jax: 0.10.2.dev20260603
libtpu: 0.0.44.dev20260713+nightly
codegen_flags: <defaults>
</compile_context>

<pallas_src>
import functools

import jax
import jax.numpy as jnp
from jax import lax
from jax.experimental import pallas as pl
from jax.experimental.pallas import tpu as pltpu
from jax.experimental.pallas import tpu_sc as plsc

N = 10000
D = 128
E = 320000

NC = 2
NS = 16
DH = D // NC
CH = 128
NCHUNK = 158
EPT = NCHUNK * CH
EPAD = EPT * NS
ROWS_PER_TILE = 640
ROWS = ROWS_PER_TILE * NS
DEGW = 16

_mesh = plsc.VectorSubcoreMesh(core_axis_name="c", subcore_axis_name="s")


@functools.partial(
    pl.kernel,
    mesh=_mesh,
    out_type=[
        jax.ShapeDtypeStruct((NC, ROWS, DH), jnp.bfloat16),
        jax.ShapeDtypeStruct((ROWS, DEGW), jnp.float32),
    ],
    scratch_types=[
        pltpu.VMEM((NCHUNK, CH), jnp.int32),
        pltpu.VMEM((NCHUNK, CH), jnp.int32),
        pltpu.VMEM((CH, DH), jnp.bfloat16),
        pltpu.VMEM((CH, DH), jnp.bfloat16),
        pltpu.VMEM((CH, DEGW), jnp.float32),
        pltpu.VMEM((CH, DEGW), jnp.float32),
        pltpu.VMEM_SHARED((ROWS, DH), jnp.bfloat16),
        pltpu.VMEM_SHARED((ROWS, DEGW), jnp.float32),
        pltpu.SemaphoreType.DMA,
        pltpu.SemaphoreType.DMA,
    ],
    compiler_params=pltpu.CompilerParams(use_tc_tiling_on_sc=False),
)
def _sc_aggregate(x_hbm, edge_hbm, zbf_hbm, z16_hbm, ones_hbm,
                  acc_out, deg_out,
                  srcv, dstv, bufa, bufb, onesv, z16v, acc_sh, deg_sh,
                  sema, semb):
    c = lax.axis_index("c")
    s = lax.axis_index("s")
    rbase = s * ROWS_PER_TILE

    pltpu.sync_copy(zbf_hbm, bufa)
    pltpu.sync_copy(z16_hbm, z16v)
    pltpu.sync_copy(ones_hbm, onesv)
    pltpu.sync_copy(edge_hbm.at[0, s], srcv)
    pltpu.sync_copy(edge_hbm.at[1, s], dstv)
    xview = x_hbm.at[c]

    for r in range(ROWS_PER_TILE // CH):
        pltpu.sync_copy(bufa, acc_sh.at[pl.ds(rbase + r * CH, CH)])
        pltpu.sync_copy(z16v, deg_sh.at[pl.ds(rbase + r * CH, CH)])
    plsc.subcore_barrier()

    pltpu.async_copy(xview.at[srcv.at[0]], bufa, sema)
    pltpu.async_copy(xview.at[srcv.at[1]], bufb, semb)

    def body(g, car):
        pltpu.make_async_copy(xview.at[srcv.at[g]], bufa, sema).wait()
        pltpu.sync_copy(bufa, acc_sh.at[dstv.at[g]], add=True)
        pltpu.sync_copy(onesv, deg_sh.at[dstv.at[g]], add=True)

        @pl.when(g + 2 < NCHUNK)
        def _start_a():
            pltpu.async_copy(xview.at[srcv.at[g + 2]], bufa, sema)

        pltpu.make_async_copy(xview.at[srcv.at[g + 1]], bufb, semb).wait()
        pltpu.sync_copy(bufb, acc_sh.at[dstv.at[g + 1]], add=True)
        pltpu.sync_copy(onesv, deg_sh.at[dstv.at[g + 1]], add=True)

        @pl.when(g + 3 < NCHUNK)
        def _start_b():
            pltpu.async_copy(xview.at[srcv.at[g + 3]], bufb, semb)

        return car

    lax.fori_loop(0, NCHUNK // 2, lambda i, car: body(i * 2, car), 0,
                  unroll=False)

    plsc.subcore_barrier()
    pltpu.sync_copy(acc_sh.at[pl.ds(rbase, ROWS_PER_TILE)],
                    acc_out.at[c, pl.ds(rbase, ROWS_PER_TILE)])
    @pl.when(c == 0)
    def _flush_deg():
        pltpu.sync_copy(deg_sh.at[pl.ds(rbase, ROWS_PER_TILE)],
                        deg_out.at[pl.ds(rbase, ROWS_PER_TILE)])


def _prep_x_body(x_ref, o_ref):
    xb = x_ref[...]
    o_ref[0] = xb[:, :DH].astype(jnp.bfloat16)
    o_ref[1] = xb[:, DH:].astype(jnp.bfloat16)


def _tc_body(x_ref, a0_ref, a1_ref, d0_ref,
             whp_ref, bhp_ref, wlp_ref, blp_ref, wid_ref, bid_ref,
             wh_ref, bh_ref, wl_ref, bl_ref, wi_ref, bi_ref,
             out_ref):
    x = x_ref[...]
    deg = d0_ref[:, 0:1]
    acc = jnp.concatenate([a0_ref[...], a1_ref[...]],
                          axis=1).astype(jnp.float32)
    agg = acc / jnp.maximum(deg, 1.0)
    bf = jnp.bfloat16
    h_hp = jnp.maximum(
        jnp.dot((x - agg).astype(bf), whp_ref[...].astype(bf),
                preferred_element_type=jnp.float32) + bhp_ref[...], 0.0)
    h_lp = jnp.maximum(
        jnp.dot(agg.astype(bf), wlp_ref[...].astype(bf),
                preferred_element_type=jnp.float32) + blp_ref[...], 0.0)
    h_id = jnp.maximum(
        jnp.dot(x.astype(bf), wid_ref[...].astype(bf),
                preferred_element_type=jnp.float32) + bid_ref[...], 0.0)
    a_h = jax.nn.sigmoid(
        jnp.sum(h_hp * wh_ref[...], axis=1, keepdims=True) + bh_ref[...])
    a_l = jax.nn.sigmoid(
        jnp.sum(h_lp * wl_ref[...], axis=1, keepdims=True) + bl_ref[...])
    a_i = jax.nn.sigmoid(
        jnp.sum(h_id * wi_ref[...], axis=1, keepdims=True) + bi_ref[...])
    out_ref[...] = a_h * h_hp + a_l * h_lp + a_i * h_id


def kernel(x, edge_index, W_hp, b_hp, W_lp, b_lp, W_id, b_id,
           wh, bh, wl, bl, wi, bi):
    pad = EPAD - E
    pad_block = jnp.concatenate(
        [jnp.zeros((1, pad), jnp.int32), jnp.full((1, pad), N, jnp.int32)])
    edge_p = jnp.concatenate([edge_index, pad_block], axis=1)
    edge_p = edge_p.reshape(2, NS, NCHUNK, CH)
    pb = 1000
    x_halves = pl.pallas_call(
        _prep_x_body,
        grid=(N // pb,),
        in_specs=[pl.BlockSpec((pb, D), lambda i: (i, 0))],
        out_specs=pl.BlockSpec((NC, pb, DH), lambda i: (0, i, 0)),
        out_shape=jax.ShapeDtypeStruct((NC, N, DH), jnp.bfloat16),
    )(x)
    zbf = jnp.zeros((CH, DH), jnp.bfloat16)
    z16 = jnp.zeros((CH, DEGW), jnp.float32)
    ones16 = jnp.ones((CH, DEGW), jnp.float32)

    acc, deg = _sc_aggregate(x_halves, edge_p, zbf, z16, ones16)

    rb = 1000
    grid = (N // rb,)
    row_spec = pl.BlockSpec((rb, D), lambda i: (i, 0))
    half_spec = pl.BlockSpec((rb, DH), lambda i: (i, 0))
    deg_spec = pl.BlockSpec((rb, DEGW), lambda i: (i, 0))
    full = lambda shape: pl.BlockSpec(shape, lambda i: (0,) * len(shape))
    out = pl.pallas_call(
        _tc_body,
        grid=grid,
        in_specs=[
            row_spec, half_spec, half_spec, deg_spec,
            full((D, D)), full((1, D)),
            full((D, D)), full((1, D)),
            full((D, D)), full((1, D)),
            full((1, D)), full((1, 1)),
            full((1, D)), full((1, 1)),
            full((1, D)), full((1, 1)),
        ],
        out_specs=row_spec,
        out_shape=jax.ShapeDtypeStruct((N, D), jnp.float32),
    )(x, acc[0], acc[1], deg,
      W_hp, b_hp.reshape(1, D), W_lp, b_lp.reshape(1, D),
      W_id, b_id.reshape(1, D),
      wh.reshape(1, D), bh.reshape(1, 1),
      wl.reshape(1, D), bl.reshape(1, 1),
      wi.reshape(1, D), bi.reshape(1, 1))
    return out

# --- scband reference (transcript-rebuilt; emitter-appended) ---
"""Pipeline reference for scband-acm-framework-52012053954564 (READ-ONLY COPY).

The authoritative reference and input builder live on the scoring server;
editing this copy changes nothing except your own understanding.
"""

import jax, jax.numpy as jnp
import numpy as np

N = 10000
E = 320000
D = 128


def setup_inputs(seed: int = 0) -> dict:
    key = jax.random.key(seed)
    ks = jax.random.split(key, 16)
    x = jax.random.normal(ks[0], (N, D), dtype=jnp.float32)
    edge_index = jax.random.randint(ks[1], (2, E), 0, N, dtype=jnp.int32)
    s = 1.0 / np.sqrt(D)
    W_hp = jax.random.normal(ks[2], (D, D), dtype=jnp.float32) * s
    b_hp = jnp.zeros((D,), dtype=jnp.float32)
    W_lp = jax.random.normal(ks[3], (D, D), dtype=jnp.float32) * s
    b_lp = jnp.zeros((D,), dtype=jnp.float32)
    W_id = jax.random.normal(ks[4], (D, D), dtype=jnp.float32) * s
    b_id = jnp.zeros((D,), dtype=jnp.float32)
    wh = jax.random.normal(ks[5], (D, 1), dtype=jnp.float32) * s
    bh = jnp.zeros((1,), dtype=jnp.float32)
    wl = jax.random.normal(ks[6], (D, 1), dtype=jnp.float32) * s
    bl = jnp.zeros((1,), dtype=jnp.float32)
    wi = jax.random.normal(ks[7], (D, 1), dtype=jnp.float32) * s
    bi = jnp.zeros((1,), dtype=jnp.float32)
    return {"x": x, "edge_index": edge_index, "W_hp": W_hp, "b_hp": b_hp,
            "W_lp": W_lp, "b_lp": b_lp, "W_id": W_id, "b_id": b_id,
            "wh": wh, "bh": bh, "wl": wl, "bl": bl, "wi": wi, "bi": bi}


def reference(x, edge_index, W_hp, b_hp, W_lp, b_lp, W_id, b_id, wh, bh, wl, bl, wi, bi):
    n = x.shape[0]
    src = edge_index[0]
    dst = edge_index[1]
    # mean-normalized neighborhood aggregation (LP propagation A_hat @ x)
    deg = jax.ops.segment_sum(jnp.ones_like(src, dtype=x.dtype), dst, num_segments=n)
    agg = jax.ops.segment_sum(jnp.take(x, src, axis=0), dst, num_segments=n)
    agg = agg / jnp.maximum(deg, 1.0)[:, None]
    # three ACM filter channels: high-pass (L = I - A_hat), low-pass (A_hat), identity
    H_hp = jax.nn.relu((x - agg) @ W_hp + b_hp)
    H_lp = jax.nn.relu(agg @ W_lp + b_lp)
    H_i = jax.nn.relu(x @ W_id + b_id)
    alpha_h = jax.nn.sigmoid(H_hp @ wh + bh)[:, 0]
    alpha_l = jax.nn.sigmoid(H_lp @ wl + bl)[:, 0]
    alpha_i = jax.nn.sigmoid(H_i @ wi + bi)[:, 0]
    # torch.matmul(torch.diag(alpha), H) == alpha[:, None] * H
    out = alpha_h[:, None] * H_hp + alpha_l[:, None] * H_lp + alpha_i[:, None] * H_i
    return out

if __name__ == "__main__":
    import jax
    _d = setup_inputs()
    print(jax.jit(kernel)(*tuple(_d.values())))

</pallas_src>

<mosaic_0001>
#map = affine_map<(d0, d1) -> (0, 0, 0)>
#map1 = affine_map<(d0, d1) -> (0, 0, 0, 0)>
#map2 = affine_map<(d0, d1) -> (0, 0)>
module attributes {stable_mosaic.version = 14 : i64} {
  func.func @_sc_aggregate(%arg0: i32, %arg1: i32, %arg2: memref<2x10000x64xbf16, #tpu.memory_space<hbm>>, %arg3: memref<2x16x158x128xi32, #tpu.memory_space<hbm>>, %arg4: memref<128x64xbf16, #tpu.memory_space<hbm>>, %arg5: memref<128x16xf32, #tpu.memory_space<hbm>>, %arg6: memref<128x16xf32, #tpu.memory_space<hbm>>, %arg7: memref<2x10240x64xbf16, #tpu.memory_space<hbm>>, %arg8: memref<10240x16xf32, #tpu.memory_space<hbm>>, %arg9: memref<158x128xi32, #tpu.memory_space<vmem>>, %arg10: memref<158x128xi32, #tpu.memory_space<vmem>>, %arg11: memref<128x64xbf16, #tpu.memory_space<vmem>>, %arg12: memref<128x64xbf16, #tpu.memory_space<vmem>>, %arg13: memref<128x16xf32, #tpu.memory_space<vmem>>, %arg14: memref<128x16xf32, #tpu.memory_space<vmem>>, %arg15: memref<10240x64xbf16, #tpu.memory_space<vmem_shared>>, %arg16: memref<10240x16xf32, #tpu.memory_space<vmem_shared>>, %arg17: memref<!tpu.dma_semaphore, #tpu.memory_space<semaphore_mem>>, %arg18: memref<!tpu.dma_semaphore, #tpu.memory_space<semaphore_mem>>) attributes {dimension_semantics = [#tpu.dimension_semantics<core_parallel>, #tpu.dimension_semantics<subcore_parallel>], iteration_bounds = array<i64: 2, 16>, scalar_prefetch = 0 : i64, scratch_operands = 10 : i64, tpu.core_type = #tpu.core_type<sc_vector_subcore>, window_params = [{transform_indices = #map}, {transform_indices = #map1}, {transform_indices = #map2}, {transform_indices = #map2}, {transform_indices = #map2}, {transform_indices = #map}, {transform_indices = #map2}]} {
    %mul3A = arith.constant 640 : i32
    %mul3A_0 = arith.muli %arg1, %mul3A : i32
    "tpu.region"() ({
      %run_scoped3A_50 = tpu.sem_alloc : memref<!tpu.dma_semaphore, #tpu.memory_space<semaphore_mem>>
      tpu.enqueue_dma source(%arg4 : memref<128x64xbf16, #tpu.memory_space<hbm>>) target(%arg11 : memref<128x64xbf16, #tpu.memory_space<vmem>>) target_semaphore(%run_scoped3A_50 : memref<!tpu.dma_semaphore, #tpu.memory_space<semaphore_mem>>)
      tpu.wait_dma2 semaphore(%run_scoped3A_50 : memref<!tpu.dma_semaphore, #tpu.memory_space<semaphore_mem>>) src(%arg4 : memref<128x64xbf16, #tpu.memory_space<hbm>>) dst(%arg11 : memref<128x64xbf16, #tpu.memory_space<vmem>>)
      tpu.yield
    }) : () -> ()
    "tpu.region"() ({
      %run_scoped3A_50 = tpu.sem_alloc : memref<!tpu.dma_semaphore, #tpu.memory_space<semaphore_mem>>
      tpu.enqueue_dma source(%arg5 : memref<128x16xf32, #tpu.memory_space<hbm>>) target(%arg14 : memref<128x16xf32, #tpu.memory_space<vmem>>) target_semaphore(%run_scoped3A_50 : memref<!tpu.dma_semaphore, #tpu.memory_space<semaphore_mem>>)
      tpu.wait_dma2 semaphore(%run_scoped3A_50 : memref<!tpu.dma_semaphore, #tpu.memory_space<semaphore_mem>>) src(%arg5 : memref<128x16xf32, #tpu.memory_space<hbm>>) dst(%arg14 : memref<128x16xf32, #tpu.memory_space<vmem>>)
      tpu.yield
    }) : () -> ()
    "tpu.region"() ({
      %run_scoped3A_50 = tpu.sem_alloc : memref<!tpu.dma_semaphore, #tpu.memory_space<semaphore_mem>>
      tpu.enqueue_dma source(%arg6 : memref<128x16xf32, #tpu.memory_space<hbm>>) target(%arg13 : memref<128x16xf32, #tpu.memory_space<vmem>>) target_semaphore(%run_scoped3A_50 : memref<!tpu.dma_semaphore, #tpu.memory_space<semaphore_mem>>)
      tpu.wait_dma2 semaphore(%run_scoped3A_50 : memref<!tpu.dma_semaphore, #tpu.memory_space<semaphore_mem>>) src(%arg6 : memref<128x16xf32, #tpu.memory_space<hbm>>) dst(%arg13 : memref<128x16xf32, #tpu.memory_space<vmem>>)
      tpu.yield
    }) : () -> ()
    %run_scoped3A = arith.constant 0 : i32
    "tpu.region"() ({
      %run_scoped3A_50 = tpu.sem_alloc : memref<!tpu.dma_semaphore, #tpu.memory_space<semaphore_mem>>
      %dma_start3A_51 = arith.constant 0 : i32
      %dma_start3A_52 = arith.constant 0 : i32
      %dma_start3A_53 = tpu.memref_slice %arg3[%run_scoped3A, %arg1, %dma_start3A_51, %dma_start3A_52] : memref<2x16x158x128xi32, #tpu.memory_space<hbm>> -> memref<1x1x158x128xi32, #tpu.memory_space<hbm>>
      %dma_start3A_54 = tpu.memref_squeeze %dma_start3A_53 : memref<1x1x158x128xi32, #tpu.memory_space<hbm>> -> memref<158x128xi32, #tpu.memory_space<hbm>>
      %dma_start3A_55 = arith.constant 0 : i32
      %dma_start3A_56 = arith.constant 0 : i32
      %dma_start3A_57 = tpu.memref_slice %arg3[%run_scoped3A, %arg1, %dma_start3A_55, %dma_start3A_56] : memref<2x16x158x128xi32, #tpu.memory_space<hbm>> -> memref<1x1x158x128xi32, #tpu.memory_space<hbm>>
      %dma_start3A_58 = tpu.memref_squeeze %dma_start3A_57 : memref<1x1x158x128xi32, #tpu.memory_space<hbm>> -> memref<158x128xi32, #tpu.memory_space<hbm>>
      tpu.enqueue_dma source(%dma_start3A_58 : memref<158x128xi32, #tpu.memory_space<hbm>>) target(%arg9 : memref<158x128xi32, #tpu.memory_space<vmem>>) target_semaphore(%run_scoped3A_50 : memref<!tpu.dma_semaphore, #tpu.memory_space<semaphore_mem>>)
      %dma_wait3A = arith.constant 0 : i32
      %dma_wait3A_59 = arith.constant 0 : i32
      %dma_wait3A_60 = tpu.memref_slice %arg3[%run_scoped3A, %arg1, %dma_wait3A, %dma_wait3A_59] : memref<2x16x158x128xi32, #tpu.memory_space<hbm>> -> memref<1x1x158x128xi32, #tpu.memory_space<hbm>>
      %dma_wait3A_61 = tpu.memref_squeeze %dma_wait3A_60 : memref<1x1x158x128xi32, #tpu.memory_space<hbm>> -> memref<158x128xi32, #tpu.memory_space<hbm>>
      %dma_wait3A_62 = arith.constant 0 : i32
      %dma_wait3A_63 = arith.constant 0 : i32
      %dma_wait3A_64 = tpu.memref_slice %arg3[%run_scoped3A, %arg1, %dma_wait3A_62, %dma_wait3A_63] : memref<2x16x158x128xi32, #tpu.memory_space<hbm>> -> memref<1x1x158x128xi32, #tpu.memory_space<hbm>>
      %dma_wait3A_65 = tpu.memref_squeeze %dma_wait3A_64 : memref<1x1x158x128xi32, #tpu.memory_space<hbm>> -> memref<158x128xi32, #tpu.memory_space<hbm>>
      tpu.wait_dma2 semaphore(%run_scoped3A_50 : memref<!tpu.dma_semaphore, #tpu.memory_space<semaphore_mem>>) src(%dma_wait3A_65 : memref<158x128xi32, #tpu.memory_space<hbm>>) dst(%arg9 : memref<158x128xi32, #tpu.memory_space<vmem>>)
      tpu.yield
    }) : () -> ()
    %run_scoped3A_1 = arith.constant 1 : i32
    "tpu.region"() ({
      %run_scoped3A_50 = tpu.sem_alloc : memref<!tpu.dma_semaphore, #tpu.memory_space<semaphore_mem>>
      %dma_start3A_51 = arith.constant 0 : i32
      %dma_start3A_52 = arith.constant 0 : i32
      %dma_start3A_53 = tpu.memref_slice %arg3[%run_scoped3A_1, %arg1, %dma_start3A_51, %dma_start3A_52] : memref<2x16x158x128xi32, #tpu.memory_space<hbm>> -> memref<1x1x158x128xi32, #tpu.memory_space<hbm>>
      %dma_start3A_54 = tpu.memref_squeeze %dma_start3A_53 : memref<1x1x158x128xi32, #tpu.memory_space<hbm>> -> memref<158x128xi32, #tpu.memory_space<hbm>>
      %dma_start3A_55 = arith.constant 0 : i32
      %dma_start3A_56 = arith.constant 0 : i32
      %dma_start3A_57 = tpu.memref_slice %arg3[%run_scoped3A_1, %arg1, %dma_start3A_55, %dma_start3A_56] : memref<2x16x158x128xi32, #tpu.memory_space<hbm>> -> memref<1x1x158x128xi32, #tpu.memory_space<hbm>>
      %dma_start3A_58 = tpu.memref_squeeze %dma_start3A_57 : memref<1x1x158x128xi32, #tpu.memory_space<hbm>> -> memref<158x128xi32, #tpu.memory_space<hbm>>
      tpu.enqueue_dma source(%dma_start3A_58 : memref<158x128xi32, #tpu.memory_space<hbm>>) target(%arg10 : memref<158x128xi32, #tpu.memory_space<vmem>>) target_semaphore(%run_scoped3A_50 : memref<!tpu.dma_semaphore, #tpu.memory_space<semaphore_mem>>)
      %dma_wait3A = arith.constant 0 : i32
      %dma_wait3A_59 = arith.constant 0 : i32
      %dma_wait3A_60 = tpu.memref_slice %arg3[%run_scoped3A_1, %arg1, %dma_wait3A, %dma_wait3A_59] : memref<2x16x158x128xi32, #tpu.memory_space<hbm>> -> memref<1x1x158x128xi32, #tpu.memory_space<hbm>>
      %dma_wait3A_61 = tpu.memref_squeeze %dma_wait3A_60 : memref<1x1x158x128xi32, #tpu.memory_space<hbm>> -> memref<158x128xi32, #tpu.memory_space<hbm>>
      %dma_wait3A_62 = arith.constant 0 : i32
      %dma_wait3A_63 = arith.constant 0 : i32
      %dma_wait3A_64 = tpu.memref_slice %arg3[%run_scoped3A_1, %arg1, %dma_wait3A_62, %dma_wait3A_63] : memref<2x16x158x128xi32, #tpu.memory_space<hbm>> -> memref<1x1x158x128xi32, #tpu.memory_space<hbm>>
      %dma_wait3A_65 = tpu.memref_squeeze %dma_wait3A_64 : memref<1x1x158x128xi32, #tpu.memory_space<hbm>> -> memref<158x128xi32, #tpu.memory_space<hbm>>
      tpu.wait_dma2 semaphore(%run_scoped3A_50 : memref<!tpu.dma_semaphore, #tpu.memory_space<semaphore_mem>>) src(%dma_wait3A_65 : memref<158x128xi32, #tpu.memory_space<hbm>>) dst(%arg10 : memref<158x128xi32, #tpu.memory_space<vmem>>)
      tpu.yield
    }) : () -> ()
    %add3A = arith.constant 0 : i32
    %add3A_2 = arith.addi %mul3A_0, %add3A : i32
    "tpu.region"() ({
      %run_scoped3A_50 = tpu.sem_alloc : memref<!tpu.dma_semaphore, #tpu.memory_space<semaphore_mem>>
      %dma_start3A_51 = arith.constant 0 : i32
      %dma_start3A_52 = tpu.memref_slice %arg15[%add3A_2, %dma_start3A_51] : memref<10240x64xbf16, #tpu.memory_space<vmem_shared>> -> memref<128x64xbf16, #tpu.memory_space<vmem_shared>>
      %dma_start3A_53 = arith.constant 0 : i32
      %dma_start3A_54 = tpu.memref_slice %arg15[%add3A_2, %dma_start3A_53] : memref<10240x64xbf16, #tpu.memory_space<vmem_shared>> -> memref<128x64xbf16, #tpu.memory_space<vmem_shared>>
      tpu.enqueue_dma source(%arg11 : memref<128x64xbf16, #tpu.memory_space<vmem>>) target(%dma_start3A_54 : memref<128x64xbf16, #tpu.memory_space<vmem_shared>>) target_semaphore(%run_scoped3A_50 : memref<!tpu.dma_semaphore, #tpu.memory_space<semaphore_mem>>)
      %dma_wait3A = arith.constant 0 : i32
      %dma_wait3A_55 = tpu.memref_slice %arg15[%add3A_2, %dma_wait3A] : memref<10240x64xbf16, #tpu.memory_space<vmem_shared>> -> memref<128x64xbf16, #tpu.memory_space<vmem_shared>>
      %dma_wait3A_56 = arith.constant 0 : i32
      %dma_wait3A_57 = tpu.memref_slice %arg15[%add3A_2, %dma_wait3A_56] : memref<10240x64xbf16, #tpu.memory_space<vmem_shared>> -> memref<128x64xbf16, #tpu.memory_space<vmem_shared>>
      tpu.wait_dma2 semaphore(%run_scoped3A_50 : memref<!tpu.dma_semaphore, #tpu.memory_space<semaphore_mem>>) src(%arg11 : memref<128x64xbf16, #tpu.memory_space<vmem>>) dst(%dma_wait3A_57 : memref<128x64xbf16, #tpu.memory_space<vmem_shared>>)
      tpu.yield
    }) : () -> ()
    %add3A_3 = arith.constant 0 : i32
    %add3A_4 = arith.addi %mul3A_0, %add3A_3 : i32
    "tpu.region"() ({
      %run_scoped3A_50 = tpu.sem_alloc : memref<!tpu.dma_semaphore, #tpu.memory_space<semaphore_mem>>
      %dma_start3A_51 = arith.constant 0 : i32
      %dma_start3A_52 = tpu.memref_slice %arg16[%add3A_4, %dma_start3A_51] : memref<10240x16xf32, #tpu.memory_space<vmem_shared>> -> memref<128x16xf32, #tpu.memory_space<vmem_shared>>
      %dma_start3A_53 = arith.constant 0 : i32
      %dma_start3A_54 = tpu.memref_slice %arg16[%add3A_4, %dma_start3A_53] : memref<10240x16xf32, #tpu.memory_space<vmem_shared>> -> memref<128x16xf32, #tpu.memory_space<vmem_shared>>
      tpu.enqueue_dma source(%arg14 : memref<128x16xf32, #tpu.memory_space<vmem>>) target(%dma_start3A_54 : memref<128x16xf32, #tpu.memory_space<vmem_shared>>) target_semaphore(%run_scoped3A_50 : memref<!tpu.dma_semaphore, #tpu.memory_space<semaphore_mem>>)
      %dma_wait3A = arith.constant 0 : i32
      %dma_wait3A_55 = tpu.memref_slice %arg16[%add3A_4, %dma_wait3A] : memref<10240x16xf32, #tpu.memory_space<vmem_shared>> -> memref<128x16xf32, #tpu.memory_space<vmem_shared>>
      %dma_wait3A_56 = arith.constant 0 : i32
      %dma_wait3A_57 = tpu.memref_slice %arg16[%add3A_4, %dma_wait3A_56] : memref<10240x16xf32, #tpu.memory_space<vmem_shared>> -> memref<128x16xf32, #tpu.memory_space<vmem_shared>>
      tpu.wait_dma2 semaphore(%run_scoped3A_50 : memref<!tpu.dma_semaphore, #tpu.memory_space<semaphore_mem>>) src(%arg14 : memref<128x16xf32, #tpu.memory_space<vmem>>) dst(%dma_wait3A_57 : memref<128x16xf32, #tpu.memory_space<vmem_shared>>)
      tpu.yield
    }) : () -> ()
    %add3A_5 = arith.constant 128 : i32
    %add3A_6 = arith.addi %mul3A_0, %add3A_5 : i32
    "tpu.region"() ({
      %run_scoped3A_50 = tpu.sem_alloc : memref<!tpu.dma_semaphore, #tpu.memory_space<semaphore_mem>>
      %dma_start3A_51 = arith.constant 0 : i32
      %dma_start3A_52 = tpu.memref_slice %arg15[%add3A_6, %dma_start3A_51] : memref<10240x64xbf16, #tpu.memory_space<vmem_shared>> -> memref<128x64xbf16, #tpu.memory_space<vmem_shared>>
      %dma_start3A_53 = arith.constant 0 : i32
      %dma_start3A_54 = tpu.memref_slice %arg15[%add3A_6, %dma_start3A_53] : memref<10240x64xbf16, #tpu.memory_space<vmem_shared>> -> memref<128x64xbf16, #tpu.memory_space<vmem_shared>>
      tpu.enqueue_dma source(%arg11 : memref<128x64xbf16, #tpu.memory_space<vmem>>) target(%dma_start3A_54 : memref<128x64xbf16, #tpu.memory_space<vmem_shared>>) target_semaphore(%run_scoped3A_50 : memref<!tpu.dma_semaphore, #tpu.memory_space<semaphore_mem>>)
      %dma_wait3A = arith.constant 0 : i32
      %dma_wait3A_55 = tpu.memref_slice %arg15[%add3A_6, %dma_wait3A] : memref<10240x64xbf16, #tpu.memory_space<vmem_shared>> -> memref<128x64xbf16, #tpu.memory_space<vmem_shared>>
      %dma_wait3A_56 = arith.constant 0 : i32
      %dma_wait3A_57 = tpu.memref_slice %arg15[%add3A_6, %dma_wait3A_56] : memref<10240x64xbf16, #tpu.memory_space<vmem_shared>> -> memref<128x64xbf16, #tpu.memory_space<vmem_shared>>
      tpu.wait_dma2 semaphore(%run_scoped3A_50 : memref<!tpu.dma_semaphore, #tpu.memory_space<semaphore_mem>>) src(%arg11 : memref<128x64xbf16, #tpu.memory_space<vmem>>) dst(%dma_wait3A_57 : memref<128x64xbf16, #tpu.memory_space<vmem_shared>>)
      tpu.yield
    }) : () -> ()
    %add3A_7 = arith.constant 128 : i32
    %add3A_8 = arith.addi %mul3A_0, %add3A_7 : i32
    "tpu.region"() ({
      %run_scoped3A_50 = tpu.sem_alloc : memref<!tpu.dma_semaphore, #tpu.memory_space<semaphore_mem>>
      %dma_start3A_51 = arith.constant 0 : i32
      %dma_start3A_52 = tpu.memref_slice %arg16[%add3A_8, %dma_start3A_51] : memref<10240x16xf32, #tpu.memory_space<vmem_shared>> -> memref<128x16xf32, #tpu.memory_space<vmem_shared>>
      %dma_start3A_53 = arith.constant 0 : i32
      %dma_start3A_54 = tpu.memref_slice %arg16[%add3A_8, %dma_start3A_53] : memref<10240x16xf32, #tpu.memory_space<vmem_shared>> -> memref<128x16xf32, #tpu.memory_space<vmem_shared>>
      tpu.enqueue_dma source(%arg14 : memref<128x16xf32, #tpu.memory_space<vmem>>) target(%dma_start3A_54 : memref<128x16xf32, #tpu.memory_space<vmem_shared>>) target_semaphore(%run_scoped3A_50 : memref<!tpu.dma_semaphore, #tpu.memory_space<semaphore_mem>>)
      %dma_wait3A = arith.constant 0 : i32
      %dma_wait3A_55 = tpu.memref_slice %arg16[%add3A_8, %dma_wait3A] : memref<10240x16xf32, #tpu.memory_space<vmem_shared>> -> memref<128x16xf32, #tpu.memory_space<vmem_shared>>
      %dma_wait3A_56 = arith.constant 0 : i32
      %dma_wait3A_57 = tpu.memref_slice %arg16[%add3A_8, %dma_wait3A_56] : memref<10240x16xf32, #tpu.memory_space<vmem_shared>> -> memref<128x16xf32, #tpu.memory_space<vmem_shared>>
      tpu.wait_dma2 semaphore(%run_scoped3A_50 : memref<!tpu.dma_semaphore, #tpu.memory_space<semaphore_mem>>) src(%arg14 : memref<128x16xf32, #tpu.memory_space<vmem>>) dst(%dma_wait3A_57 : memref<128x16xf32, #tpu.memory_space<vmem_shared>>)
      tpu.yield
    }) : () -> ()
    %add3A_9 = arith.constant 256 : i32
    %add3A_10 = arith.addi %mul3A_0, %add3A_9 : i32
    "tpu.region"() ({
      %run_scoped3A_50 = tpu.sem_alloc : memref<!tpu.dma_semaphore, #tpu.memory_space<semaphore_mem>>
      %dma_start3A_51 = arith.constant 0 : i32
      %dma_start3A_52 = tpu.memref_slice %arg15[%add3A_10, %dma_start3A_51] : memref<10240x64xbf16, #tpu.memory_space<vmem_shared>> -> memref<128x64xbf16, #tpu.memory_space<vmem_shared>>
      %dma_start3A_53 = arith.constant 0 : i32
      %dma_start3A_54 = tpu.memref_slice %arg15[%add3A_10, %dma_start3A_53] : memref<10240x64xbf16, #tpu.memory_space<vmem_shared>> -> memref<128x64xbf16, #tpu.memory_space<vmem_shared>>
      tpu.enqueue_dma source(%arg11 : memref<128x64xbf16, #tpu.memory_space<vmem>>) target(%dma_start3A_54 : memref<128x64xbf16, #tpu.memory_space<vmem_shared>>) target_semaphore(%run_scoped3A_50 : memref<!tpu.dma_semaphore, #tpu.memory_space<semaphore_mem>>)
      %dma_wait3A = arith.constant 0 : i32
      %dma_wait3A_55 = tpu.memref_slice %arg15[%add3A_10, %dma_wait3A] : memref<10240x64xbf16, #tpu.memory_space<vmem_shared>> -> memref<128x64xbf16, #tpu.memory_space<vmem_shared>>
      %dma_wait3A_56 = arith.constant 0 : i32
      %dma_wait3A_57 = tpu.memref_slice %arg15[%add3A_10, %dma_wait3A_56] : memref<10240x64xbf16, #tpu.memory_space<vmem_shared>> -> memref<128x64xbf16, #tpu.memory_space<vmem_shared>>
      tpu.wait_dma2 semaphore(%run_scoped3A_50 : memref<!tpu.dma_semaphore, #tpu.memory_space<semaphore_mem>>) src(%arg11 : memref<128x64xbf16, #tpu.memory_space<vmem>>) dst(%dma_wait3A_57 : memref<128x64xbf16, #tpu.memory_space<vmem_shared>>)
      tpu.yield
    }) : () -> ()
    %add3A_11 = arith.constant 256 : i32
    %add3A_12 = arith.addi %mul3A_0, %add3A_11 : i32
    "tpu.region"() ({
      %run_scoped3A_50 = tpu.sem_alloc : memref<!tpu.dma_semaphore, #tpu.memory_space<semaphore_mem>>
      %dma_start3A_51 = arith.constant 0 : i32
      %dma_start3A_52 = tpu.memref_slice %arg16[%add3A_12, %dma_start3A_51] : memref<10240x16xf32, #tpu.memory_space<vmem_shared>> -> memref<128x16xf32, #tpu.memory_space<vmem_shared>>
      %dma_start3A_53 = arith.constant 0 : i32
      %dma_start3A_54 = tpu.memref_slice %arg16[%add3A_12, %dma_start3A_53] : memref<10240x16xf32, #tpu.memory_space<vmem_shared>> -> memref<128x16xf32, #tpu.memory_space<vmem_shared>>
      tpu.enqueue_dma source(%arg14 : memref<128x16xf32, #tpu.memory_space<vmem>>) target(%dma_start3A_54 : memref<128x16xf32, #tpu.memory_space<vmem_shared>>) target_semaphore(%run_scoped3A_50 : memref<!tpu.dma_semaphore, #tpu.memory_space<semaphore_mem>>)
      %dma_wait3A = arith.constant 0 : i32
      %dma_wait3A_55 = tpu.memref_slice %arg16[%add3A_12, %dma_wait3A] : memref<10240x16xf32, #tpu.memory_space<vmem_shared>> -> memref<128x16xf32, #tpu.memory_space<vmem_shared>>
      %dma_wait3A_56 = arith.constant 0 : i32
      %dma_wait3A_57 = tpu.memref_slice %arg16[%add3A_12, %dma_wait3A_56] : memref<10240x16xf32, #tpu.memory_space<vmem_shared>> -> memref<128x16xf32, #tpu.memory_space<vmem_shared>>
      tpu.wait_dma2 semaphore(%run_scoped3A_50 : memref<!tpu.dma_semaphore, #tpu.memory_space<semaphore_mem>>) src(%arg14 : memref<128x16xf32, #tpu.memory_space<vmem>>) dst(%dma_wait3A_57 : memref<128x16xf32, #tpu.memory_space<vmem_shared>>)
      tpu.yield
    }) : () -> ()
    %add3A_13 = arith.constant 384 : i32
    %add3A_14 = arith.addi %mul3A_0, %add3A_13 : i32
    "tpu.region"() ({
      %run_scoped3A_50 = tpu.sem_alloc : memref<!tpu.dma_semaphore, #tpu.memory_space<semaphore_mem>>
      %dma_start3A_51 = arith.constant 0 : i32
      %dma_start3A_52 = tpu.memref_slice %arg15[%add3A_14, %dma_start3A_51] : memref<10240x64xbf16, #tpu.memory_space<vmem_shared>> -> memref<128x64xbf16, #tpu.memory_space<vmem_shared>>
      %dma_start3A_53 = arith.constant 0 : i32
      %dma_start3A_54 = tpu.memref_slice %arg15[%add3A_14, %dma_start3A_53] : memref<10240x64xbf16, #tpu.memory_space<vmem_shared>> -> memref<128x64xbf16, #tpu.memory_space<vmem_shared>>
      tpu.enqueue_dma source(%arg11 : memref<128x64xbf16, #tpu.memory_space<vmem>>) target(%dma_start3A_54 : memref<128x64xbf16, #tpu.memory_space<vmem_shared>>) target_semaphore(%run_scoped3A_50 : memref<!tpu.dma_semaphore, #tpu.memory_space<semaphore_mem>>)
      %dma_wait3A = arith.constant 0 : i32
      %dma_wait3A_55 = tpu.memref_slice %arg15[%add3A_14, %dma_wait3A] : memref<10240x64xbf16, #tpu.memory_space<vmem_shared>> -> memref<128x64xbf16, #tpu.memory_space<vmem_shared>>
      %dma_wait3A_56 = arith.constant 0 : i32
      %dma_wait3A_57 = tpu.memref_slice %arg15[%add3A_14, %dma_wait3A_56] : memref<10240x64xbf16, #tpu.memory_space<vmem_shared>> -> memref<128x64xbf16, #tpu.memory_space<vmem_shared>>
      tpu.wait_dma2 semaphore(%run_scoped3A_50 : memref<!tpu.dma_semaphore, #tpu.memory_space<semaphore_mem>>) src(%arg11 : memref<128x64xbf16, #tpu.memory_space<vmem>>) dst(%dma_wait3A_57 : memref<128x64xbf16, #tpu.memory_space<vmem_shared>>)
      tpu.yield
    }) : () -> ()
    %add3A_15 = arith.constant 384 : i32
    %add3A_16 = arith.addi %mul3A_0, %add3A_15 : i32
    "tpu.region"() ({
      %run_scoped3A_50 = tpu.sem_alloc : memref<!tpu.dma_semaphore, #tpu.memory_space<semaphore_mem>>
      %dma_start3A_51 = arith.constant 0 : i32
      %dma_start3A_52 = tpu.memref_slice %arg16[%add3A_16, %dma_start3A_51] : memref<10240x16xf32, #tpu.memory_space<vmem_shared>> -> memref<128x16xf32, #tpu.memory_space<vmem_shared>>
      %dma_start3A_53 = arith.constant 0 : i32
      %dma_start3A_54 = tpu.memref_slice %arg16[%add3A_16, %dma_start3A_53] : memref<10240x16xf32, #tpu.memory_space<vmem_shared>> -> memref<128x16xf32, #tpu.memory_space<vmem_shared>>
      tpu.enqueue_dma source(%arg14 : memref<128x16xf32, #tpu.memory_space<vmem>>) target(%dma_start3A_54 : memref<128x16xf32, #tpu.memory_space<vmem_shared>>) target_semaphore(%run_scoped3A_50 : memref<!tpu.dma_semaphore, #tpu.memory_space<semaphore_mem>>)
      %dma_wait3A = arith.constant 0 : i32
      %dma_wait3A_55 = tpu.memref_slice %arg16[%add3A_16, %dma_wait3A] : memref<10240x16xf32, #tpu.memory_space<vmem_shared>> -> memref<128x16xf32, #tpu.memory_space<vmem_shared>>
      %dma_wait3A_56 = arith.constant 0 : i32
      %dma_wait3A_57 = tpu.memref_slice %arg16[%add3A_16, %dma_wait3A_56] : memref<10240x16xf32, #tpu.memory_space<vmem_shared>> -> memref<128x16xf32, #tpu.memory_space<vmem_shared>>
      tpu.wait_dma2 semaphore(%run_scoped3A_50 : memref<!tpu.dma_semaphore, #tpu.memory_space<semaphore_mem>>) src(%arg14 : memref<128x16xf32, #tpu.memory_space<vmem>>) dst(%dma_wait3A_57 : memref<128x16xf32, #tpu.memory_space<vmem_shared>>)
      tpu.yield
    }) : () -> ()
    %add3A_17 = arith.constant 512 : i32
    %add3A_18 = arith.addi %mul3A_0, %add3A_17 : i32
    "tpu.region"() ({
      %run_scoped3A_50 = tpu.sem_alloc : memref<!tpu.dma_semaphore, #tpu.memory_space<semaphore_mem>>
      %dma_start3A_51 = arith.constant 0 : i32
      %dma_start3A_52 = tpu.memref_slice %arg15[%add3A_18, %dma_start3A_51] : memref<10240x64xbf16, #tpu.memory_space<vmem_shared>> -> memref<128x64xbf16, #tpu.memory_space<vmem_shared>>
      %dma_start3A_53 = arith.constant 0 : i32
      %dma_start3A_54 = tpu.memref_slice %arg15[%add3A_18, %dma_start3A_53] : memref<10240x64xbf16, #tpu.memory_space<vmem_shared>> -> memref<128x64xbf16, #tpu.memory_space<vmem_shared>>
      tpu.enqueue_dma source(%arg11 : memref<128x64xbf16, #tpu.memory_space<vmem>>) target(%dma_start3A_54 : memref<128x64xbf16, #tpu.memory_space<vmem_shared>>) target_semaphore(%run_scoped3A_50 : memref<!tpu.dma_semaphore, #tpu.memory_space<semaphore_mem>>)
      %dma_wait3A = arith.constant 0 : i32
      %dma_wait3A_55 = tpu.memref_slice %arg15[%add3A_18, %dma_wait3A] : memref<10240x64xbf16, #tpu.memory_space<vmem_shared>> -> memref<128x64xbf16, #tpu.memory_space<vmem_shared>>
      %dma_wait3A_56 = arith.constant 0 : i32
      %dma_wait3A_57 = tpu.memref_slice %arg15[%add3A_18, %dma_wait3A_56] : memref<10240x64xbf16, #tpu.memory_space<vmem_shared>> -> memref<128x64xbf16, #tpu.memory_space<vmem_shared>>
      tpu.wait_dma2 semaphore(%run_scoped3A_50 : memref<!tpu.dma_semaphore, #tpu.memory_space<semaphore_mem>>) src(%arg11 : memref<128x64xbf16, #tpu.memory_space<vmem>>) dst(%dma_wait3A_57 : memref<128x64xbf16, #tpu.memory_space<vmem_shared>>)
      tpu.yield
    }) : () -> ()
    %add3A_19 = arith.constant 512 : i32
    %add3A_20 = arith.addi %mul3A_0, %add3A_19 : i32
    "tpu.region"() ({
      %run_scoped3A_50 = tpu.sem_alloc : memref<!tpu.dma_semaphore, #tpu.memory_space<semaphore_mem>>
      %dma_start3A_51 = arith.constant 0 : i32
      %dma_start3A_52 = tpu.memref_slice %arg16[%add3A_20, %dma_start3A_51] : memref<10240x16xf32, #tpu.memory_space<vmem_shared>> -> memref<128x16xf32, #tpu.memory_space<vmem_shared>>
      %dma_start3A_53 = arith.constant 0 : i32
      %dma_start3A_54 = tpu.memref_slice %arg16[%add3A_20, %dma_start3A_53] : memref<10240x16xf32, #tpu.memory_space<vmem_shared>> -> memref<128x16xf32, #tpu.memory_space<vmem_shared>>
      tpu.enqueue_dma source(%arg14 : memref<128x16xf32, #tpu.memory_space<vmem>>) target(%dma_start3A_54 : memref<128x16xf32, #tpu.memory_space<vmem_shared>>) target_semaphore(%run_scoped3A_50 : memref<!tpu.dma_semaphore, #tpu.memory_space<semaphore_mem>>)
      %dma_wait3A = arith.constant 0 : i32
      %dma_wait3A_55 = tpu.memref_slice %arg16[%add3A_20, %dma_wait3A] : memref<10240x16xf32, #tpu.memory_space<vmem_shared>> -> memref<128x16xf32, #tpu.memory_space<vmem_shared>>
      %dma_wait3A_56 = arith.constant 0 : i32
      %dma_wait3A_57 = tpu.memref_slice %arg16[%add3A_20, %dma_wait3A_56] : memref<10240x16xf32, #tpu.memory_space<vmem_shared>> -> memref<128x16xf32, #tpu.memory_space<vmem_shared>>
      tpu.wait_dma2 semaphore(%run_scoped3A_50 : memref<!tpu.dma_semaphore, #tpu.memory_space<semaphore_mem>>) src(%arg14 : memref<128x16xf32, #tpu.memory_space<vmem>>) dst(%dma_wait3A_57 : memref<128x16xf32, #tpu.memory_space<vmem_shared>>)
      tpu.yield
    }) : () -> ()
    %barrier3A = arith.constant 0 : index
    tpu.barrier barrier_id(%barrier3A)
    %dma_start3A = arith.constant 0 : i32
    %dma_start3A_21 = arith.constant 0 : i32
    %dma_start3A_22 = tpu.memref_slice %arg9[%dma_start3A, %dma_start3A_21] : memref<158x128xi32, #tpu.memory_space<vmem>> -> memref<1x128xi32, #tpu.memory_space<vmem>>
    %dma_start3A_23 = tpu.memref_squeeze %dma_start3A_22 : memref<1x128xi32, #tpu.memory_space<vmem>> -> memref<128xi32, #tpu.memory_space<vmem>>
    %dma_start3A_24 = arith.constant 0 : i32
    %dma_start3A_25 = arith.constant 0 : i32
    %dma_start3A_26 = tpu.memref_slice %arg2[%arg0, %dma_start3A_24, %dma_start3A_25] : memref<2x10000x64xbf16, #tpu.memory_space<hbm>> -> memref<1x10000x64xbf16, #tpu.memory_space<hbm>>
    %dma_start3A_27 = tpu.memref_squeeze %dma_start3A_26 : memref<1x10000x64xbf16, #tpu.memory_space<hbm>> -> memref<10000x64xbf16, #tpu.memory_space<hbm>>
    %dma_start3A_28 = arith.constant 0 : i32
    %dma_start3A_29 = arith.constant 0 : i32
    %dma_start3A_30 = tpu.memref_slice %dma_start3A_27[%dma_start3A_28, %dma_start3A_29] : memref<10000x64xbf16, #tpu.memory_space<hbm>> -> memref<10000x64xbf16, #tpu.memory_space<hbm>>
    tpu.enqueue_indirect_dma source(%dma_start3A_30 : memref<10000x64xbf16, #tpu.memory_space<hbm>>) target(%arg11 : memref<128x64xbf16, #tpu.memory_space<vmem>>) offsets(%dma_start3A_23 : memref<128xi32, #tpu.memory_space<vmem>>) semaphore(%arg17 : memref<!tpu.dma_semaphore, #tpu.memory_space<semaphore_mem>>)
    %dma_start3A_31 = arith.constant 1 : i32
    %dma_start3A_32 = arith.constant 0 : i32
    %dma_start3A_33 = tpu.memref_slice %arg9[%dma_start3A_31, %dma_start3A_32] : memref<158x128xi32, #tpu.memory_space<vmem>> -> memref<1x128xi32, #tpu.memory_space<vmem>>
    %dma_start3A_34 = tpu.memref_squeeze %dma_start3A_33 : memref<1x128xi32, #tpu.memory_space<vmem>> -> memref<128xi32, #tpu.memory_space<vmem>>
    %dma_start3A_35 = arith.constant 0 : i32
    %dma_start3A_36 = arith.constant 0 : i32
    %dma_start3A_37 = tpu.memref_slice %arg2[%arg0, %dma_start3A_35, %dma_start3A_36] : memref<2x10000x64xbf16, #tpu.memory_space<hbm>> -> memref<1x10000x64xbf16, #tpu.memory_space<hbm>>
    %dma_start3A_38 = tpu.memref_squeeze %dma_start3A_37 : memref<1x10000x64xbf16, #tpu.memory_space<hbm>> -> memref<10000x64xbf16, #tpu.memory_space<hbm>>
    %dma_start3A_39 = arith.constant 0 : i32
    %dma_start3A_40 = arith.constant 0 : i32
    %dma_start3A_41 = tpu.memref_slice %dma_start3A_38[%dma_start3A_39, %dma_start3A_40] : memref<10000x64xbf16, #tpu.memory_space<hbm>> -> memref<10000x64xbf16, #tpu.memory_space<hbm>>
    tpu.enqueue_indirect_dma source(%dma_start3A_41 : memref<10000x64xbf16, #tpu.memory_space<hbm>>) target(%arg12 : memref<128x64xbf16, #tpu.memory_space<vmem>>) offsets(%dma_start3A_34 : memref<128xi32, #tpu.memory_space<vmem>>) semaphore(%arg18 : memref<!tpu.dma_semaphore, #tpu.memory_space<semaphore_mem>>)
    %scan3A = arith.constant 0 : i32
    %scan3A_42 = arith.constant 0 : i32
    %scan3A_43 = arith.constant 79 : i32
    %scan3A_44 = arith.addi %scan3A_42, %scan3A_43 : i32
    %scan3A_45 = arith.constant 1 : i32
    scf.for %scan3A_50 = %scan3A_42 to %scan3A_44 step %scan3A_45  : i32 {
      %mul3A_51 = arith.constant 2 : i32
      %mul3A_52 = arith.muli %scan3A_50, %mul3A_51 : i32
      %dma_wait3A = arith.constant 0 : i32
      %dma_wait3A_53 = tpu.memref_slice %arg9[%mul3A_52, %dma_wait3A] : memref<158x128xi32, #tpu.memory_space<vmem>> -> memref<1x128xi32, #tpu.memory_space<vmem>>
      %dma_wait3A_54 = tpu.memref_squeeze %dma_wait3A_53 : memref<1x128xi32, #tpu.memory_space<vmem>> -> memref<128xi32, #tpu.memory_space<vmem>>
      %dma_wait3A_55 = arith.constant 0 : i32
      %dma_wait3A_56 = arith.constant 0 : i32
      %dma_wait3A_57 = tpu.memref_slice %arg2[%arg0, %dma_wait3A_55, %dma_wait3A_56] : memref<2x10000x64xbf16, #tpu.memory_space<hbm>> -> memref<1x10000x64xbf16, #tpu.memory_space<hbm>>
      %dma_wait3A_58 = tpu.memref_squeeze %dma_wait3A_57 : memref<1x10000x64xbf16, #tpu.memory_space<hbm>> -> memref<10000x64xbf16, #tpu.memory_space<hbm>>
      %dma_wait3A_59 = arith.constant 0 : i32
      %dma_wait3A_60 = arith.constant 0 : i32
      %dma_wait3A_61 = tpu.memref_slice %dma_wait3A_58[%dma_wait3A_59, %dma_wait3A_60] : memref<10000x64xbf16, #tpu.memory_space<hbm>> -> memref<10000x64xbf16, #tpu.memory_space<hbm>>
      tpu.wait_indirect_dma semaphore(%arg17 : memref<!tpu.dma_semaphore, #tpu.memory_space<semaphore_mem>>) src(%dma_wait3A_61 : memref<10000x64xbf16, #tpu.memory_space<hbm>>) dst(%arg11 : memref<128x64xbf16, #tpu.memory_space<vmem>>)
      "tpu.region"() ({
        %run_scoped3A_91 = tpu.sem_alloc : memref<!tpu.dma_semaphore, #tpu.memory_space<semaphore_mem>>
        %dma_start3A_92 = arith.constant 0 : i32
        %dma_start3A_93 = tpu.memref_slice %arg10[%mul3A_52, %dma_start3A_92] : memref<158x128xi32, #tpu.memory_space<vmem>> -> memref<1x128xi32, #tpu.memory_space<vmem>>
        %dma_start3A_94 = tpu.memref_squeeze %dma_start3A_93 : memref<1x128xi32, #tpu.memory_space<vmem>> -> memref<128xi32, #tpu.memory_space<vmem>>
        %dma_start3A_95 = arith.constant 0 : i32
        %dma_start3A_96 = arith.constant 0 : i32
        %dma_start3A_97 = tpu.memref_slice %arg15[%dma_start3A_95, %dma_start3A_96] : memref<10240x64xbf16, #tpu.memory_space<vmem_shared>> -> memref<10240x64xbf16, #tpu.memory_space<vmem_shared>>
        tpu.enqueue_indirect_dma source(%arg11 : memref<128x64xbf16, #tpu.memory_space<vmem>>) target(%dma_start3A_97 : memref<10240x64xbf16, #tpu.memory_space<vmem_shared>>) offsets(%dma_start3A_94 : memref<128xi32, #tpu.memory_space<vmem>>) semaphore(%run_scoped3A_91 : memref<!tpu.dma_semaphore, #tpu.memory_space<semaphore_mem>>) {add = true}
        %dma_wait3A_98 = arith.constant 0 : i32
        %dma_wait3A_99 = tpu.memref_slice %arg10[%mul3A_52, %dma_wait3A_98] : memref<158x128xi32, #tpu.memory_space<vmem>> -> memref<1x128xi32, #tpu.memory_space<vmem>>
        %dma_wait3A_100 = tpu.memref_squeeze %dma_wait3A_99 : memref<1x128xi32, #tpu.memory_space<vmem>> -> memref<128xi32, #tpu.memory_space<vmem>>
        %dma_wait3A_101 = arith.constant 0 : i32
        %dma_wait3A_102 = arith.constant 0 : i32
        %dma_wait3A_103 = tpu.memref_slice %arg15[%dma_wait3A_101, %dma_wait3A_102] : memref<10240x64xbf16, #tpu.memory_space<vmem_shared>> -> memref<10240x64xbf16, #tpu.memory_space<vmem_shared>>
        tpu.wait_indirect_dma semaphore(%run_scoped3A_91 : memref<!tpu.dma_semaphore, #tpu.memory_space<semaphore_mem>>) src(%arg11 : memref<128x64xbf16, #tpu.memory_space<vmem>>) dst(%dma_wait3A_103 : memref<10240x64xbf16, #tpu.memory_space<vmem_shared>>)
        tpu.yield
      }) : () -> ()
      "tpu.region"() ({
        %run_scoped3A_91 = tpu.sem_alloc : memref<!tpu.dma_semaphore, #tpu.memory_space<semaphore_mem>>
        %dma_start3A_92 = arith.constant 0 : i32
        %dma_start3A_93 = tpu.memref_slice %arg10[%mul3A_52, %dma_start3A_92] : memref<158x128xi32, #tpu.memory_space<vmem>> -> memref<1x128xi32, #tpu.memory_space<vmem>>
        %dma_start3A_94 = tpu.memref_squeeze %dma_start3A_93 : memref<1x128xi32, #tpu.memory_space<vmem>> -> memref<128xi32, #tpu.memory_space<vmem>>
        %dma_start3A_95 = arith.constant 0 : i32
        %dma_start3A_96 = arith.constant 0 : i32
        %dma_start3A_97 = tpu.memref_slice %arg16[%dma_start3A_95, %dma_start3A_96] : memref<10240x16xf32, #tpu.memory_space<vmem_shared>> -> memref<10240x16xf32, #tpu.memory_space<vmem_shared>>
        tpu.enqueue_indirect_dma source(%arg13 : memref<128x16xf32, #tpu.memory_space<vmem>>) target(%dma_start3A_97 : memref<10240x16xf32, #tpu.memory_space<vmem_shared>>) offsets(%dma_start3A_94 : memref<128xi32, #tpu.memory_space<vmem>>) semaphore(%run_scoped3A_91 : memref<!tpu.dma_semaphore, #tpu.memory_space<semaphore_mem>>) {add = true}
        %dma_wait3A_98 = arith.constant 0 : i32
        %dma_wait3A_99 = tpu.memref_slice %arg10[%mul3A_52, %dma_wait3A_98] : memref<158x128xi32, #tpu.memory_space<vmem>> -> memref<1x128xi32, #tpu.memory_space<vmem>>
        %dma_wait3A_100 = tpu.memref_squeeze %dma_wait3A_99 : memref<1x128xi32, #tpu.memory_space<vmem>> -> memref<128xi32, #tpu.memory_space<vmem>>
        %dma_wait3A_101 = arith.constant 0 : i32
        %dma_wait3A_102 = arith.constant 0 : i32
        %dma_wait3A_103 = tpu.memref_slice %arg16[%dma_wait3A_101, %dma_wait3A_102] : memref<10240x16xf32, #tpu.memory_space<vmem_shared>> -> memref<10240x16xf32, #tpu.memory_space<vmem_shared>>
        tpu.wait_indirect_dma semaphore(%run_scoped3A_91 : memref<!tpu.dma_semaphore, #tpu.memory_space<semaphore_mem>>) src(%arg13 : memref<128x16xf32, #tpu.memory_space<vmem>>) dst(%dma_wait3A_103 : memref<10240x16xf32, #tpu.memory_space<vmem_shared>>)
        tpu.yield
      }) : () -> ()
      %add3A_62 = arith.constant 2 : i32
      %add3A_63 = arith.addi %mul3A_52, %add3A_62 : i32
      %lt3A = arith.constant 158 : i32
      %lt3A_64 = arith.cmpi slt, %add3A_63, %lt3A : i32
      %convert_element_type3A_65 = arith.extui %lt3A_64 : i1 to i32
      %cond3A_66 = arith.constant 0 : i32
      %cond3A_67 = arith.cmpi ne, %convert_element_type3A_65, %cond3A_66 : i32
      scf.if %cond3A_67 {
        %add3A_91 = arith.constant 2 : i32
        %add3A_92 = arith.addi %mul3A_52, %add3A_91 : i32
        %dma_start3A_93 = arith.constant 0 : i32
        %dma_start3A_94 = tpu.memref_slice %arg9[%add3A_92, %dma_start3A_93] : memref<158x128xi32, #tpu.memory_space<vmem>> -> memref<1x128xi32, #tpu.memory_space<vmem>>
        %dma_start3A_95 = tpu.memref_squeeze %dma_start3A_94 : memref<1x128xi32, #tpu.memory_space<vmem>> -> memref<128xi32, #tpu.memory_space<vmem>>
        %dma_start3A_96 = arith.constant 0 : i32
        %dma_start3A_97 = arith.constant 0 : i32
        %dma_start3A_98 = tpu.memref_slice %arg2[%arg0, %dma_start3A_96, %dma_start3A_97] : memref<2x10000x64xbf16, #tpu.memory_space<hbm>> -> memref<1x10000x64xbf16, #tpu.memory_space<hbm>>
        %dma_start3A_99 = tpu.memref_squeeze %dma_start3A_98 : memref<1x10000x64xbf16, #tpu.memory_space<hbm>> -> memref<10000x64xbf16, #tpu.memory_space<hbm>>
        %dma_start3A_100 = arith.constant 0 : i32
        %dma_start3A_101 = arith.constant 0 : i32
        %dma_start3A_102 = tpu.memref_slice %dma_start3A_99[%dma_start3A_100, %dma_start3A_101] : memref<10000x64xbf16, #tpu.memory_space<hbm>> -> memref<10000x64xbf16, #tpu.memory_space<hbm>>
        tpu.enqueue_indirect_dma source(%dma_start3A_102 : memref<10000x64xbf16, #tpu.memory_space<hbm>>) target(%arg11 : memref<128x64xbf16, #tpu.memory_space<vmem>>) offsets(%dma_start3A_95 : memref<128xi32, #tpu.memory_space<vmem>>) semaphore(%arg17 : memref<!tpu.dma_semaphore, #tpu.memory_space<semaphore_mem>>)
      } else {
      }
      %add3A_68 = arith.constant 1 : i32
      %add3A_69 = arith.addi %mul3A_52, %add3A_68 : i32
      %dma_wait3A_70 = arith.constant 0 : i32
      %dma_wait3A_71 = tpu.memref_slice %arg9[%add3A_69, %dma_wait3A_70] : memref<158x128xi32, #tpu.memory_space<vmem>> -> memref<1x128xi32, #tpu.memory_space<vmem>>
      %dma_wait3A_72 = tpu.memref_squeeze %dma_wait3A_71 : memref<1x128xi32, #tpu.memory_space<vmem>> -> memref<128xi32, #tpu.memory_space<vmem>>
      %dma_wait3A_73 = arith.constant 0 : i32
      %dma_wait3A_74 = arith.constant 0 : i32
      %dma_wait3A_75 = tpu.memref_slice %arg2[%arg0, %dma_wait3A_73, %dma_wait3A_74] : memref<2x10000x64xbf16, #tpu.memory_space<hbm>> -> memref<1x10000x64xbf16, #tpu.memory_space<hbm>>
      %dma_wait3A_76 = tpu.memref_squeeze %dma_wait3A_75 : memref<1x10000x64xbf16, #tpu.memory_space<hbm>> -> memref<10000x64xbf16, #tpu.memory_space<hbm>>
      %dma_wait3A_77 = arith.constant 0 : i32
      %dma_wait3A_78 = arith.constant 0 : i32
      %dma_wait3A_79 = tpu.memref_slice %dma_wait3A_76[%dma_wait3A_77, %dma_wait3A_78] : memref<10000x64xbf16, #tpu.memory_space<hbm>> -> memref<10000x64xbf16, #tpu.memory_space<hbm>>
      tpu.wait_indirect_dma semaphore(%arg18 : memref<!tpu.dma_semaphore, #tpu.memory_space<semaphore_mem>>) src(%dma_wait3A_79 : memref<10000x64xbf16, #tpu.memory_space<hbm>>) dst(%arg12 : memref<128x64xbf16, #tpu.memory_space<vmem>>)
      %add3A_80 = arith.constant 1 : i32
      %add3A_81 = arith.addi %mul3A_52, %add3A_80 : i32
      "tpu.region"() ({
        %run_scoped3A_91 = tpu.sem_alloc : memref<!tpu.dma_semaphore, #tpu.memory_space<semaphore_mem>>
        %dma_start3A_92 = arith.constant 0 : i32
        %dma_start3A_93 = tpu.memref_slice %arg10[%add3A_81, %dma_start3A_92] : memref<158x128xi32, #tpu.memory_space<vmem>> -> memref<1x128xi32, #tpu.memory_space<vmem>>
        %dma_start3A_94 = tpu.memref_squeeze %dma_start3A_93 : memref<1x128xi32, #tpu.memory_space<vmem>> -> memref<128xi32, #tpu.memory_space<vmem>>
        %dma_start3A_95 = arith.constant 0 : i32
        %dma_start3A_96 = arith.constant 0 : i32
        %dma_start3A_97 = tpu.memref_slice %arg15[%dma_start3A_95, %dma_start3A_96] : memref<10240x64xbf16, #tpu.memory_space<vmem_shared>> -> memref<10240x64xbf16, #tpu.memory_space<vmem_shared>>
        tpu.enqueue_indirect_dma source(%arg12 : memref<128x64xbf16, #tpu.memory_space<vmem>>) target(%dma_start3A_97 : memref<10240x64xbf16, #tpu.memory_space<vmem_shared>>) offsets(%dma_start3A_94 : memref<128xi32, #tpu.memory_space<vmem>>) semaphore(%run_scoped3A_91 : memref<!tpu.dma_semaphore, #tpu.memory_space<semaphore_mem>>) {add = true}
        %dma_wait3A_98 = arith.constant 0 : i32
        %dma_wait3A_99 = tpu.memref_slice %arg10[%add3A_81, %dma_wait3A_98] : memref<158x128xi32, #tpu.memory_space<vmem>> -> memref<1x128xi32, #tpu.memory_space<vmem>>
        %dma_wait3A_100 = tpu.memref_squeeze %dma_wait3A_99 : memref<1x128xi32, #tpu.memory_space<vmem>> -> memref<128xi32, #tpu.memory_space<vmem>>
        %dma_wait3A_101 = arith.constant 0 : i32
        %dma_wait3A_102 = arith.constant 0 : i32
        %dma_wait3A_103 = tpu.memref_slice %arg15[%dma_wait3A_101, %dma_wait3A_102] : memref<10240x64xbf16, #tpu.memory_space<vmem_shared>> -> memref<10240x64xbf16, #tpu.memory_space<vmem_shared>>
        tpu.wait_indirect_dma semaphore(%run_scoped3A_91 : memref<!tpu.dma_semaphore, #tpu.memory_space<semaphore_mem>>) src(%arg12 : memref<128x64xbf16, #tpu.memory_space<vmem>>) dst(%dma_wait3A_103 : memref<10240x64xbf16, #tpu.memory_space<vmem_shared>>)
        tpu.yield
      }) : () -> ()
      %add3A_82 = arith.constant 1 : i32
      %add3A_83 = arith.addi %mul3A_52, %add3A_82 : i32
      "tpu.region"() ({
        %run_scoped3A_91 = tpu.sem_alloc : memref<!tpu.dma_semaphore, #tpu.memory_space<semaphore_mem>>
        %dma_start3A_92 = arith.constant 0 : i32
        %dma_start3A_93 = tpu.memref_slice %arg10[%add3A_83, %dma_start3A_92] : memref<158x128xi32, #tpu.memory_space<vmem>> -> memref<1x128xi32, #tpu.memory_space<vmem>>
        %dma_start3A_94 = tpu.memref_squeeze %dma_start3A_93 : memref<1x128xi32, #tpu.memory_space<vmem>> -> memref<128xi32, #tpu.memory_space<vmem>>
        %dma_start3A_95 = arith.constant 0 : i32
        %dma_start3A_96 = arith.constant 0 : i32
        %dma_start3A_97 = tpu.memref_slice %arg16[%dma_start3A_95, %dma_start3A_96] : memref<10240x16xf32, #tpu.memory_space<vmem_shared>> -> memref<10240x16xf32, #tpu.memory_space<vmem_shared>>
        tpu.enqueue_indirect_dma source(%arg13 : memref<128x16xf32, #tpu.memory_space<vmem>>) target(%dma_start3A_97 : memref<10240x16xf32, #tpu.memory_space<vmem_shared>>) offsets(%dma_start3A_94 : memref<128xi32, #tpu.memory_space<vmem>>) semaphore(%run_scoped3A_91 : memref<!tpu.dma_semaphore, #tpu.memory_space<semaphore_mem>>) {add = true}
        %dma_wait3A_98 = arith.constant 0 : i32
        %dma_wait3A_99 = tpu.memref_slice %arg10[%add3A_83, %dma_wait3A_98] : memref<158x128xi32, #tpu.memory_space<vmem>> -> memref<1x128xi32, #tpu.memory_space<vmem>>
        %dma_wait3A_100 = tpu.memref_squeeze %dma_wait3A_99 : memref<1x128xi32, #tpu.memory_space<vmem>> -> memref<128xi32, #tpu.memory_space<vmem>>
        %dma_wait3A_101 = arith.constant 0 : i32
        %dma_wait3A_102 = arith.constant 0 : i32
        %dma_wait3A_103 = tpu.memref_slice %arg16[%dma_wait3A_101, %dma_wait3A_102] : memref<10240x16xf32, #tpu.memory_space<vmem_shared>> -> memref<10240x16xf32, #tpu.memory_space<vmem_shared>>
        tpu.wait_indirect_dma semaphore(%run_scoped3A_91 : memref<!tpu.dma_semaphore, #tpu.memory_space<semaphore_mem>>) src(%arg13 : memref<128x16xf32, #tpu.memory_space<vmem>>) dst(%dma_wait3A_103 : memref<10240x16xf32, #tpu.memory_space<vmem_shared>>)
        tpu.yield
      }) : () -> ()
      %add3A_84 = arith.constant 3 : i32
      %add3A_85 = arith.addi %mul3A_52, %add3A_84 : i32
      %lt3A_86 = arith.constant 158 : i32
      %lt3A_87 = arith.cmpi slt, %add3A_85, %lt3A_86 : i32
      %convert_element_type3A_88 = arith.extui %lt3A_87 : i1 to i32
      %cond3A_89 = arith.constant 0 : i32
      %cond3A_90 = arith.cmpi ne, %convert_element_type3A_88, %cond3A_89 : i32
      scf.if %cond3A_90 {
        %add3A_91 = arith.constant 3 : i32
        %add3A_92 = arith.addi %mul3A_52, %add3A_91 : i32
        %dma_start3A_93 = arith.constant 0 : i32
        %dma_start3A_94 = tpu.memref_slice %arg9[%add3A_92, %dma_start3A_93] : memref<158x128xi32, #tpu.memory_space<vmem>> -> memref<1x128xi32, #tpu.memory_space<vmem>>
        %dma_start3A_95 = tpu.memref_squeeze %dma_start3A_94 : memref<1x128xi32, #tpu.memory_space<vmem>> -> memref<128xi32, #tpu.memory_space<vmem>>
        %dma_start3A_96 = arith.constant 0 : i32
        %dma_start3A_97 = arith.constant 0 : i32
        %dma_start3A_98 = tpu.memref_slice %arg2[%arg0, %dma_start3A_96, %dma_start3A_97] : memref<2x10000x64xbf16, #tpu.memory_space<hbm>> -> memref<1x10000x64xbf16, #tpu.memory_space<hbm>>
        %dma_start3A_99 = tpu.memref_squeeze %dma_start3A_98 : memref<1x10000x64xbf16, #tpu.memory_space<hbm>> -> memref<10000x64xbf16, #tpu.memory_space<hbm>>
        %dma_start3A_100 = arith.constant 0 : i32
        %dma_start3A_101 = arith.constant 0 : i32
        %dma_start3A_102 = tpu.memref_slice %dma_start3A_99[%dma_start3A_100, %dma_start3A_101] : memref<10000x64xbf16, #tpu.memory_space<hbm>> -> memref<10000x64xbf16, #tpu.memory_space<hbm>>
        tpu.enqueue_indirect_dma source(%dma_start3A_102 : memref<10000x64xbf16, #tpu.memory_space<hbm>>) target(%arg12 : memref<128x64xbf16, #tpu.memory_space<vmem>>) offsets(%dma_start3A_95 : memref<128xi32, #tpu.memory_space<vmem>>) semaphore(%arg18 : memref<!tpu.dma_semaphore, #tpu.memory_space<semaphore_mem>>)
      } else {
      }
    }
    %scan3A_46 = arith.constant 79 : i32
    %barrier3A_47 = arith.constant 0 : index
    tpu.barrier barrier_id(%barrier3A_47)
    "tpu.region"() ({
      %run_scoped3A_50 = tpu.sem_alloc : memref<!tpu.dma_semaphore, #tpu.memory_space<semaphore_mem>>
      %dma_start3A_51 = arith.constant 0 : i32
      %dma_start3A_52 = tpu.memref_slice %arg7[%arg0, %mul3A_0, %dma_start3A_51] : memref<2x10240x64xbf16, #tpu.memory_space<hbm>> -> memref<1x640x64xbf16, #tpu.memory_space<hbm>>
      %dma_start3A_53 = tpu.memref_squeeze %dma_start3A_52 : memref<1x640x64xbf16, #tpu.memory_space<hbm>> -> memref<640x64xbf16, #tpu.memory_space<hbm>>
      %dma_start3A_54 = arith.constant 0 : i32
      %dma_start3A_55 = tpu.memref_slice %arg15[%mul3A_0, %dma_start3A_54] : memref<10240x64xbf16, #tpu.memory_space<vmem_shared>> -> memref<640x64xbf16, #tpu.memory_space<vmem_shared>>
      tpu.enqueue_dma source(%dma_start3A_55 : memref<640x64xbf16, #tpu.memory_space<vmem_shared>>) target(%dma_start3A_53 : memref<640x64xbf16, #tpu.memory_space<hbm>>) target_semaphore(%run_scoped3A_50 : memref<!tpu.dma_semaphore, #tpu.memory_space<semaphore_mem>>)
      %dma_wait3A = arith.constant 0 : i32
      %dma_wait3A_56 = tpu.memref_slice %arg7[%arg0, %mul3A_0, %dma_wait3A] : memref<2x10240x64xbf16, #tpu.memory_space<hbm>> -> memref<1x640x64xbf16, #tpu.memory_space<hbm>>
      %dma_wait3A_57 = tpu.memref_squeeze %dma_wait3A_56 : memref<1x640x64xbf16, #tpu.memory_space<hbm>> -> memref<640x64xbf16, #tpu.memory_space<hbm>>
      %dma_wait3A_58 = arith.constant 0 : i32
      %dma_wait3A_59 = tpu.memref_slice %arg15[%mul3A_0, %dma_wait3A_58] : memref<10240x64xbf16, #tpu.memory_space<vmem_shared>> -> memref<640x64xbf16, #tpu.memory_space<vmem_shared>>
      tpu.wait_dma2 semaphore(%run_scoped3A_50 : memref<!tpu.dma_semaphore, #tpu.memory_space<semaphore_mem>>) src(%dma_wait3A_59 : memref<640x64xbf16, #tpu.memory_space<vmem_shared>>) dst(%dma_wait3A_57 : memref<640x64xbf16, #tpu.memory_space<hbm>>)
      tpu.yield
    }) : () -> ()
    %eq3A = arith.constant 0 : i32
    %eq3A_48 = arith.cmpi eq, %arg0, %eq3A : i32
    %convert_element_type3A = arith.extui %eq3A_48 : i1 to i32
    %cond3A = arith.constant 0 : i32
    %cond3A_49 = arith.cmpi ne, %convert_element_type3A, %cond3A : i32
    scf.if %cond3A_49 {
      "tpu.region"() ({
        %run_scoped3A_50 = tpu.sem_alloc : memref<!tpu.dma_semaphore, #tpu.memory_space<semaphore_mem>>
        %dma_start3A_51 = arith.constant 0 : i32
        %dma_start3A_52 = tpu.memref_slice %arg8[%mul3A_0, %dma_start3A_51] : memref<10240x16xf32, #tpu.memory_space<hbm>> -> memref<640x16xf32, #tpu.memory_space<hbm>>
        %dma_start3A_53 = arith.constant 0 : i32
        %dma_start3A_54 = tpu.memref_slice %arg16[%mul3A_0, %dma_start3A_53] : memref<10240x16xf32, #tpu.memory_space<vmem_shared>> -> memref<640x16xf32, #tpu.memory_space<vmem_shared>>
        tpu.enqueue_dma source(%dma_start3A_54 : memref<640x16xf32, #tpu.memory_space<vmem_shared>>) target(%dma_start3A_52 : memref<640x16xf32, #tpu.memory_space<hbm>>) target_semaphore(%run_scoped3A_50 : memref<!tpu.dma_semaphore, #tpu.memory_space<semaphore_mem>>)
        %dma_wait3A = arith.constant 0 : i32
        %dma_wait3A_55 = tpu.memref_slice %arg8[%mul3A_0, %dma_wait3A] : memref<10240x16xf32, #tpu.memory_space<hbm>> -> memref<640x16xf32, #tpu.memory_space<hbm>>
        %dma_wait3A_56 = arith.constant 0 : i32
        %dma_wait3A_57 = tpu.memref_slice %arg16[%mul3A_0, %dma_wait3A_56] : memref<10240x16xf32, #tpu.memory_space<vmem_shared>> -> memref<640x16xf32, #tpu.memory_space<vmem_shared>>
        tpu.wait_dma2 semaphore(%run_scoped3A_50 : memref<!tpu.dma_semaphore, #tpu.memory_space<semaphore_mem>>) src(%dma_wait3A_57 : memref<640x16xf32, #tpu.memory_space<vmem_shared>>) dst(%dma_wait3A_55 : memref<640x16xf32, #tpu.memory_space<hbm>>)
        tpu.yield
      }) : () -> ()
    } else {
    }
    return
  }
}

module attributes {stable_mosaic.version = 14 : i64} {
  func.func @_prep_x_body(%arg0: i32, %arg1: memref<1000x128xf32, #tpu.memory_space<vmem>>, %arg2: memref<2x1000x64xbf16, #tpu.memory_space<vmem>>) attributes {dimension_semantics = [#tpu.dimension_semantics<arbitrary>], iteration_bounds = array<i64: 10>, scalar_prefetch = 0 : i64, scratch_operands = 0 : i64, tpu.core_type = #tpu.core_type<tc>, window_params = [{transform_indices = @transform_0, window_bounds = array<i64: 1000, 128>}, {transform_indices = @transform_1, window_bounds = array<i64: 2, 1000, 64>}]} {
    %get3A = arith.constant 0 : index
    %get3A_0 = arith.constant 0 : index
    %get3A_1 = vector.load %arg1[%get3A, %get3A_0] : memref<1000x128xf32, #tpu.memory_space<vmem>>, vector<1000x128xf32>
    %slice3A = vector.extract_strided_slice %get3A_1 {offsets = [0, 0], sizes = [1000, 64], strides = [1, 1]} : vector<1000x128xf32> to vector<1000x64xf32>
    %convert_element_type3A = arith.truncf %slice3A : vector<1000x64xf32> to vector<1000x64xbf16>
    %swap3A = arith.constant 0 : index
    %swap3A_2 = arith.constant 0 : index
    %swap3A_3 = arith.constant 0 : index
    %swap3A_4 = vector.load %arg2[%swap3A, %swap3A_2, %swap3A_3] : memref<2x1000x64xbf16, #tpu.memory_space<vmem>>, vector<1x1000x64xbf16>
    %swap3A_5 = vector.shape_cast %swap3A_4 : vector<1x1000x64xbf16> to vector<1000x64xbf16>
    %swap3A_6 = vector.shape_cast %convert_element_type3A : vector<1000x64xbf16> to vector<1x1000x64xbf16>
    tpu.vector_store %arg2[%swap3A, %swap3A_2, %swap3A_3], %swap3A_6 {strides = array<i32>} : memref<2x1000x64xbf16, #tpu.memory_space<vmem>>, vector<1x1000x64xbf16>,
    %slice3A_7 = vector.extract_strided_slice %get3A_1 {offsets = [0, 64], sizes = [1000, 64], strides = [1, 1]} : vector<1000x128xf32> to vector<1000x64xf32>
    %convert_element_type3A_8 = arith.truncf %slice3A_7 : vector<1000x64xf32> to vector<1000x64xbf16>
    %swap3A_9 = arith.constant 1 : index
    %swap3A_10 = arith.constant 0 : index
    %swap3A_11 = arith.constant 0 : index
    %swap3A_12 = vector.load %arg2[%swap3A_9, %swap3A_10, %swap3A_11] : memref<2x1000x64xbf16, #tpu.memory_space<vmem>>, vector<1x1000x64xbf16>
    %swap3A_13 = vector.shape_cast %swap3A_12 : vector<1x1000x64xbf16> to vector<1000x64xbf16>
    %swap3A_14 = vector.shape_cast %convert_element_type3A_8 : vector<1000x64xbf16> to vector<1x1000x64xbf16>
    tpu.vector_store %arg2[%swap3A_9, %swap3A_10, %swap3A_11], %swap3A_14 {strides = array<i32>} : memref<2x1000x64xbf16, #tpu.memory_space<vmem>>, vector<1x1000x64xbf16>,
    return
  }
  func.func @transform_0(%arg0: i32) -> (i32, i32) {
    %c0_i32 = arith.constant 0 : i32
    %c0_i32_0 = arith.constant 0 : i32
    return %arg0, %c0_i32 : i32, i32
  }
  func.func @transform_1(%arg0: i32) -> (i32, i32, i32) {
    %c0_i32 = arith.constant 0 : i32
    %c0_i32_0 = arith.constant 0 : i32
    %c0_i32_1 = arith.constant 0 : i32
    return %c0_i32, %arg0, %c0_i32_0 : i32, i32, i32
  }
}

module attributes {stable_mosaic.version = 14 : i64} {
  func.func @_tc_body(%arg0: i32, %arg1: memref<1000x128xf32, #tpu.memory_space<vmem>>, %arg2: memref<1000x64xbf16, #tpu.memory_space<vmem>>, %arg3: memref<1000x64xbf16, #tpu.memory_space<vmem>>, %arg4: memref<1000x16xf32, #tpu.memory_space<vmem>>, %arg5: memref<128x128xf32, #tpu.memory_space<vmem>>, %arg6: memref<1x128xf32, #tpu.memory_space<vmem>>, %arg7: memref<128x128xf32, #tpu.memory_space<vmem>>, %arg8: memref<1x128xf32, #tpu.memory_space<vmem>>, %arg9: memref<128x128xf32, #tpu.memory_space<vmem>>, %arg10: memref<1x128xf32, #tpu.memory_space<vmem>>, %arg11: memref<1x128xf32, #tpu.memory_space<vmem>>, %arg12: memref<1x1xf32, #tpu.memory_space<vmem>>, %arg13: memref<1x128xf32, #tpu.memory_space<vmem>>, %arg14: memref<1x1xf32, #tpu.memory_space<vmem>>, %arg15: memref<1x128xf32, #tpu.memory_space<vmem>>, %arg16: memref<1x1xf32, #tpu.memory_space<vmem>>, %arg17: memref<1000x128xf32, #tpu.memory_space<vmem>>) attributes {dimension_semantics = [#tpu.dimension_semantics<arbitrary>], iteration_bounds = array<i64: 10>, scalar_prefetch = 0 : i64, scratch_operands = 0 : i64, tpu.core_type = #tpu.core_type<tc>, window_params = [{transform_indices = @transform_0, window_bounds = array<i64: 1000, 128>}, {transform_indices = @transform_1, window_bounds = array<i64: 1000, 64>}, {transform_indices = @transform_2, window_bounds = array<i64: 1000, 64>}, {transform_indices = @transform_3, window_bounds = array<i64: 1000, 16>}, {pipeline_mode = #tpu.pipeline_mode<synchronous>, transform_indices = @transform_4, window_bounds = array<i64: 128, 128>}, {pipeline_mode = #tpu.pipeline_mode<synchronous>, transform_indices = @transform_5, window_bounds = array<i64: 1, 128>}, {pipeline_mode = #tpu.pipeline_mode<synchronous>, transform_indices = @transform_6, window_bounds = array<i64: 128, 128>}, {pipeline_mode = #tpu.pipeline_mode<synchronous>, transform_indices = @transform_7, window_bounds = array<i64: 1, 128>}, {pipeline_mode = #tpu.pipeline_mode<synchronous>, transform_indices = @transform_8, window_bounds = array<i64: 128, 128>}, {pipeline_mode = #tpu.pipeline_mode<synchronous>, transform_indices = @transform_9, window_bounds = array<i64: 1, 128>}, {pipeline_mode = #tpu.pipeline_mode<synchronous>, transform_indices = @transform_10, window_bounds = array<i64: 1, 128>}, {pipeline_mode = #tpu.pipeline_mode<synchronous>, transform_indices = @transform_11, window_bounds = array<i64: 1, 1>}, {pipeline_mode = #tpu.pipeline_mode<synchronous>, transform_indices = @transform_12, window_bounds = array<i64: 1, 128>}, {pipeline_mode = #tpu.pipeline_mode<synchronous>, transform_indices = @transform_13, window_bounds = array<i64: 1, 1>}, {pipeline_mode = #tpu.pipeline_mode<synchronous>, transform_indices = @transform_14, window_bounds = array<i64: 1, 128>}, {pipeline_mode = #tpu.pipeline_mode<synchronous>, transform_indices = @transform_15, window_bounds = array<i64: 1, 1>}, {transform_indices = @transform_16, window_bounds = array<i64: 1000, 128>}]} {
    %get3A = arith.constant 0 : index
    %get3A_0 = arith.constant 0 : index
    %get3A_1 = vector.load %arg1[%get3A, %get3A_0] : memref<1000x128xf32, #tpu.memory_space<vmem>>, vector<1000x128xf32>
    %get3A_2 = arith.constant 0 : index
    %get3A_3 = arith.constant 0 : index
    %get3A_4 = vector.load %arg4[%get3A_2, %get3A_3] : memref<1000x16xf32, #tpu.memory_space<vmem>>, vector<1000x1xf32>
    %get3A_5 = arith.constant 0 : index
    %get3A_6 = arith.constant 0 : index
    %get3A_7 = vector.load %arg2[%get3A_5, %get3A_6] : memref<1000x64xbf16, #tpu.memory_space<vmem>>, vector<1000x64xbf16>
    %get3A_8 = arith.constant 0 : index
    %get3A_9 = arith.constant 0 : index
    %get3A_10 = vector.load %arg3[%get3A_8, %get3A_9] : memref<1000x64xbf16, #tpu.memory_space<vmem>>, vector<1000x64xbf16>
    %concatenate3A = tpu.concatenate %get3A_7, %get3A_10 in 1 : vector<1000x64xbf16>, vector<1000x64xbf16> -> vector<1000x128xbf16>
    %convert_element_type3A = arith.extf %concatenate3A : vector<1000x128xbf16> to vector<1000x128xf32>
    %max3A = arith.constant 1.000000e+00 : f32
    %max3A_11 = vector.broadcast %max3A : f32 to vector<1000x1xf32>
    %max3A_12 = arith.maximumf %get3A_4, %max3A_11 : vector<1000x1xf32>
    %div3A = vector.broadcast %max3A_12 : vector<1000x1xf32> to vector<1000x128xf32>
    %div3A_13 = arith.divf %convert_element_type3A, %div3A : vector<1000x128xf32>
    %sub3A = arith.subf %get3A_1, %div3A_13 : vector<1000x128xf32>
    %convert_element_type3A_14 = arith.truncf %sub3A : vector<1000x128xf32> to vector<1000x128xbf16>
    %get3A_15 = arith.constant 0 : index
    %get3A_16 = arith.constant 0 : index
    %get3A_17 = vector.load %arg5[%get3A_15, %get3A_16] : memref<128x128xf32, #tpu.memory_space<vmem>>, vector<128x128xf32>
    %convert_element_type3A_18 = arith.truncf %get3A_17 : vector<128x128xf32> to vector<128x128xbf16>
    %dot_general3A = arith.constant dense<0.000000e+00> : vector<1000x128xf32>
    %dot_general3A_19 = tpu.matmul %convert_element_type3A_14, %convert_element_type3A_18, %dot_general3A {dimension_numbers = #tpu.dot_dimension_numbers<[1], [0], [0], [1], [0, 0, 1, 1], [], []>, transpose_lhs_hint = false} : vector<1000x128xbf16>, vector<128x128xbf16>, vector<1000x128xf32> -> vector<1000x128xf32>
    %get3A_20 = arith.constant 0 : index
    %get3A_21 = arith.constant 0 : index
    %get3A_22 = vector.load %arg6[%get3A_20, %get3A_21] : memref<1x128xf32, #tpu.memory_space<vmem>>, vector<1x128xf32>
    %add3A = vector.broadcast %get3A_22 : vector<1x128xf32> to vector<1000x128xf32>
    %add3A_23 = arith.addf %dot_general3A_19, %add3A : vector<1000x128xf32>
    %max3A_24 = arith.constant 0.000000e+00 : f32
    %max3A_25 = vector.broadcast %max3A_24 : f32 to vector<1000x128xf32>
    %max3A_26 = arith.maximumf %add3A_23, %max3A_25 : vector<1000x128xf32>
    %convert_element_type3A_27 = arith.truncf %div3A_13 : vector<1000x128xf32> to vector<1000x128xbf16>
    %get3A_28 = arith.constant 0 : index
    %get3A_29 = arith.constant 0 : index
    %get3A_30 = vector.load %arg7[%get3A_28, %get3A_29] : memref<128x128xf32, #tpu.memory_space<vmem>>, vector<128x128xf32>
    %convert_element_type3A_31 = arith.truncf %get3A_30 : vector<128x128xf32> to vector<128x128xbf16>
    %dot_general3A_32 = arith.constant dense<0.000000e+00> : vector<1000x128xf32>
    %dot_general3A_33 = tpu.matmul %convert_element_type3A_27, %convert_element_type3A_31, %dot_general3A_32 {dimension_numbers = #tpu.dot_dimension_numbers<[1], [0], [0], [1], [0, 0, 1, 1], [], []>, transpose_lhs_hint = false} : vector<1000x128xbf16>, vector<128x128xbf16>, vector<1000x128xf32> -> vector<1000x128xf32>
    %get3A_34 = arith.constant 0 : index
    %get3A_35 = arith.constant 0 : index
    %get3A_36 = vector.load %arg8[%get3A_34, %get3A_35] : memref<1x128xf32, #tpu.memory_space<vmem>>, vector<1x128xf32>
    %add3A_37 = vector.broadcast %get3A_36 : vector<1x128xf32> to vector<1000x128xf32>
    %add3A_38 = arith.addf %dot_general3A_33, %add3A_37 : vector<1000x128xf32>
    %max3A_39 = arith.constant 0.000000e+00 : f32
    %max3A_40 = vector.broadcast %max3A_39 : f32 to vector<1000x128xf32>
    %max3A_41 = arith.maximumf %add3A_38, %max3A_40 : vector<1000x128xf32>
    %convert_element_type3A_42 = arith.truncf %get3A_1 : vector<1000x128xf32> to vector<1000x128xbf16>
    %get3A_43 = arith.constant 0 : index
    %get3A_44 = arith.constant 0 : index
    %get3A_45 = vector.load %arg9[%get3A_43, %get3A_44] : memref<128x128xf32, #tpu.memory_space<vmem>>, vector<128x128xf32>
    %convert_element_type3A_46 = arith.truncf %get3A_45 : vector<128x128xf32> to vector<128x128xbf16>
    %dot_general3A_47 = arith.constant dense<0.000000e+00> : vector<1000x128xf32>
    %dot_general3A_48 = tpu.matmul %convert_element_type3A_42, %convert_element_type3A_46, %dot_general3A_47 {dimension_numbers = #tpu.dot_dimension_numbers<[1], [0], [0], [1], [0, 0, 1, 1], [], []>, transpose_lhs_hint = false} : vector<1000x128xbf16>, vector<128x128xbf16>, vector<1000x128xf32> -> vector<1000x128xf32>
    %get3A_49 = arith.constant 0 : index
    %get3A_50 = arith.constant 0 : index
    %get3A_51 = vector.load %arg10[%get3A_49, %get3A_50] : memref<1x128xf32, #tpu.memory_space<vmem>>, vector<1x128xf32>
    %add3A_52 = vector.broadcast %get3A_51 : vector<1x128xf32> to vector<1000x128xf32>
    %add3A_53 = arith.addf %dot_general3A_48, %add3A_52 : vector<1000x128xf32>
    %max3A_54 = arith.constant 0.000000e+00 : f32
    %max3A_55 = vector.broadcast %max3A_54 : f32 to vector<1000x128xf32>
    %max3A_56 = arith.maximumf %add3A_53, %max3A_55 : vector<1000x128xf32>
    %get3A_57 = arith.constant 0 : index
    %get3A_58 = arith.constant 0 : index
    %get3A_59 = vector.load %arg11[%get3A_57, %get3A_58] : memref<1x128xf32, #tpu.memory_space<vmem>>, vector<1x128xf32>
    %mul3A = vector.broadcast %get3A_59 : vector<1x128xf32> to vector<1000x128xf32>
    %mul3A_60 = arith.mulf %max3A_26, %mul3A : vector<1000x128xf32>
    %reduce_sum3A = arith.constant dense<0.000000e+00> : vector<1000xf32>
    %reduce_sum3A_61 = vector.multi_reduction <add>, %mul3A_60, %reduce_sum3A [1] : vector<1000x128xf32> to vector<1000xf32>
    %broadcast_in_dim3A = vector.shape_cast %reduce_sum3A_61 : vector<1000xf32> to vector<1000x1xf32>
    %get3A_62 = arith.constant 0 : index
    %get3A_63 = arith.constant 0 : index
    %get3A_64 = vector.load %arg12[%get3A_62, %get3A_63] : memref<1x1xf32, #tpu.memory_space<vmem>>, vector<1x1xf32>
    %add3A_65 = vector.broadcast %get3A_64 : vector<1x1xf32> to vector<1000x1xf32>
    %add3A_66 = arith.addf %broadcast_in_dim3A, %add3A_65 : vector<1000x1xf32>
    %logistic3A = arith.negf %add3A_66 : vector<1000x1xf32>
    %logistic3A_67 = math.exp %logistic3A : vector<1000x1xf32>
    %logistic3A_68 = arith.constant 1.000000e+00 : f32
    %logistic3A_69 = vector.broadcast %logistic3A_68 : f32 to vector<1000x1xf32>
    %logistic3A_70 = arith.addf %logistic3A_69, %logistic3A_67 : vector<1000x1xf32>
    %logistic3A_71 = arith.divf %logistic3A_69, %logistic3A_70 : vector<1000x1xf32>
    %get3A_72 = arith.constant 0 : index
    %get3A_73 = arith.constant 0 : index
    %get3A_74 = vector.load %arg13[%get3A_72, %get3A_73] : memref<1x128xf32, #tpu.memory_space<vmem>>, vector<1x128xf32>
    %mul3A_75 = vector.broadcast %get3A_74 : vector<1x128xf32> to vector<1000x128xf32>
    %mul3A_76 = arith.mulf %max3A_41, %mul3A_75 : vector<1000x128xf32>
    %reduce_sum3A_77 = arith.constant dense<0.000000e+00> : vector<1000xf32>
    %reduce_sum3A_78 = vector.multi_reduction <add>, %mul3A_76, %reduce_sum3A_77 [1] : vector<1000x128xf32> to vector<1000xf32>
    %broadcast_in_dim3A_79 = vector.shape_cast %reduce_sum3A_78 : vector<1000xf32> to vector<1000x1xf32>
    %get3A_80 = arith.constant 0 : index
    %get3A_81 = arith.constant 0 : index
    %get3A_82 = vector.load %arg14[%get3A_80, %get3A_81] : memref<1x1xf32, #tpu.memory_space<vmem>>, vector<1x1xf32>
    %add3A_83 = vector.broadcast %get3A_82 : vector<1x1xf32> to vector<1000x1xf32>
    %add3A_84 = arith.addf %broadcast_in_dim3A_79, %add3A_83 : vector<1000x1xf32>
    %logistic3A_85 = arith.negf %add3A_84 : vector<1000x1xf32>
    %logistic3A_86 = math.exp %logistic3A_85 : vector<1000x1xf32>
    %logistic3A_87 = arith.constant 1.000000e+00 : f32
    %logistic3A_88 = vector.broadcast %logistic3A_87 : f32 to vector<1000x1xf32>
    %logistic3A_89 = arith.addf %logistic3A_88, %logistic3A_86 : vector<1000x1xf32>
    %logistic3A_90 = arith.divf %logistic3A_88, %logistic3A_89 : vector<1000x1xf32>
    %get3A_91 = arith.constant 0 : index
    %get3A_92 = arith.constant 0 : index
    %get3A_93 = vector.load %arg15[%get3A_91, %get3A_92] : memref<1x128xf32, #tpu.memory_space<vmem>>, vector<1x128xf32>
    %mul3A_94 = vector.broadcast %get3A_93 : vector<1x128xf32> to vector<1000x128xf32>
    %mul3A_95 = arith.mulf %max3A_56, %mul3A_94 : vector<1000x128xf32>
    %reduce_sum3A_96 = arith.constant dense<0.000000e+00> : vector<1000xf32>
    %reduce_sum3A_97 = vector.multi_reduction <add>, %mul3A_95, %reduce_sum3A_96 [1] : vector<1000x128xf32> to vector<1000xf32>
    %broadcast_in_dim3A_98 = vector.shape_cast %reduce_sum3A_97 : vector<1000xf32> to vector<1000x1xf32>
    %get3A_99 = arith.constant 0 : index
    %get3A_100 = arith.constant 0 : index
    %get3A_101 = vector.load %arg16[%get3A_99, %get3A_100] : memref<1x1xf32, #tpu.memory_space<vmem>>, vector<1x1xf32>
    %add3A_102 = vector.broadcast %get3A_101 : vector<1x1xf32> to vector<1000x1xf32>
    %add3A_103 = arith.addf %broadcast_in_dim3A_98, %add3A_102 : vector<1000x1xf32>
    %logistic3A_104 = arith.negf %add3A_103 : vector<1000x1xf32>
    %logistic3A_105 = math.exp %logistic3A_104 : vector<1000x1xf32>
    %logistic3A_106 = arith.constant 1.000000e+00 : f32
    %logistic3A_107 = vector.broadcast %logistic3A_106 : f32 to vector<1000x1xf32>
    %logistic3A_108 = arith.addf %logistic3A_107, %logistic3A_105 : vector<1000x1xf32>
    %logistic3A_109 = arith.divf %logistic3A_107, %logistic3A_108 : vector<1000x1xf32>
    %mul3A_110 = vector.broadcast %logistic3A_71 : vector<1000x1xf32> to vector<1000x128xf32>
    %mul3A_111 = arith.mulf %mul3A_110, %max3A_26 : vector<1000x128xf32>
    %mul3A_112 = vector.broadcast %logistic3A_90 : vector<1000x1xf32> to vector<1000x128xf32>
    %mul3A_113 = arith.mulf %mul3A_112, %max3A_41 : vector<1000x128xf32>
    %add3A_114 = arith.addf %mul3A_111, %mul3A_113 : vector<1000x128xf32>
    %mul3A_115 = vector.broadcast %logistic3A_109 : vector<1000x1xf32> to vector<1000x128xf32>
    %mul3A_116 = arith.mulf %mul3A_115, %max3A_56 : vector<1000x128xf32>
    %add3A_117 = arith.addf %add3A_114, %mul3A_116 : vector<1000x128xf32>
    %swap3A = arith.constant 0 : index
    %swap3A_118 = arith.constant 0 : index
    %swap3A_119 = vector.load %arg17[%swap3A, %swap3A_118] : memref<1000x128xf32, #tpu.memory_space<vmem>>, vector<1000x128xf32>
    tpu.vector_store %arg17[%swap3A, %swap3A_118], %add3A_117 {strides = array<i32>} : memref<1000x128xf32, #tpu.memory_space<vmem>>, vector<1000x128xf32>,
    return
  }
  func.func @transform_0(%arg0: i32) -> (i32, i32) {
    %c0_i32 = arith.constant 0 : i32
    %c0_i32_0 = arith.constant 0 : i32
    return %arg0, %c0_i32 : i32, i32
  }
  func.func @transform_1(%arg0: i32) -> (i32, i32) {
    %c0_i32 = arith.constant 0 : i32
    %c0_i32_0 = arith.constant 0 : i32
    return %arg0, %c0_i32 : i32, i32
  }
  func.func @transform_2(%arg0: i32) -> (i32, i32) {
    %c0_i32 = arith.constant 0 : i32
    %c0_i32_0 = arith.constant 0 : i32
    return %arg0, %c0_i32 : i32, i32
  }
  func.func @transform_3(%arg0: i32) -> (i32, i32) {
    %c0_i32 = arith.constant 0 : i32
    %c0_i32_0 = arith.constant 0 : i32
    return %arg0, %c0_i32 : i32, i32
  }
  func.func @transform_4(%arg0: i32) -> (i32, i32) {
    %c0_i32 = arith.constant 0 : i32
    %c0_i32_0 = arith.constant 0 : i32
    %c0_i32_1 = arith.constant 0 : i32
    return %c0_i32, %c0_i32_0 : i32, i32
  }
  func.func @transform_5(%arg0: i32) -> (i32, i32) {
    %c0_i32 = arith.constant 0 : i32
    %c0_i32_0 = arith.constant 0 : i32
    %c0_i32_1 = arith.constant 0 : i32
    return %c0_i32, %c0_i32_0 : i32, i32
  }
  func.func @transform_6(%arg0: i32) -> (i32, i32) {
    %c0_i32 = arith.constant 0 : i32
    %c0_i32_0 = arith.constant 0 : i32
    %c0_i32_1 = arith.constant 0 : i32
    return %c0_i32, %c0_i32_0 : i32, i32
  }
  func.func @transform_7(%arg0: i32) -> (i32, i32) {
    %c0_i32 = arith.constant 0 : i32
    %c0_i32_0 = arith.constant 0 : i32
    %c0_i32_1 = arith.constant 0 : i32
    return %c0_i32, %c0_i32_0 : i32, i32
  }
  func.func @transform_8(%arg0: i32) -> (i32, i32) {
    %c0_i32 = arith.constant 0 : i32
    %c0_i32_0 = arith.constant 0 : i32
    %c0_i32_1 = arith.constant 0 : i32
    return %c0_i32, %c0_i32_0 : i32, i32
  }
  func.func @transform_9(%arg0: i32) -> (i32, i32) {
    %c0_i32 = arith.constant 0 : i32
    %c0_i32_0 = arith.constant 0 : i32
    %c0_i32_1 = arith.constant 0 : i32
    return %c0_i32, %c0_i32_0 : i32, i32
  }
  func.func @transform_10(%arg0: i32) -> (i32, i32) {
    %c0_i32 = arith.constant 0 : i32
    %c0_i32_0 = arith.constant 0 : i32
    %c0_i32_1 = arith.constant 0 : i32
    return %c0_i32, %c0_i32_0 : i32, i32
  }
  func.func @transform_11(%arg0: i32) -> (i32, i32) {
    %c0_i32 = arith.constant 0 : i32
    %c0_i32_0 = arith.constant 0 : i32
    %c0_i32_1 = arith.constant 0 : i32
    return %c0_i32, %c0_i32_0 : i32, i32
  }
  func.func @transform_12(%arg0: i32) -> (i32, i32) {
    %c0_i32 = arith.constant 0 : i32
    %c0_i32_0 = arith.constant 0 : i32
    %c0_i32_1 = arith.constant 0 : i32
    return %c0_i32, %c0_i32_0 : i32, i32
  }
  func.func @transform_13(%arg0: i32) -> (i32, i32) {
    %c0_i32 = arith.constant 0 : i32
    %c0_i32_0 = arith.constant 0 : i32
    %c0_i32_1 = arith.constant 0 : i32
    return %c0_i32, %c0_i32_0 : i32, i32
  }
  func.func @transform_14(%arg0: i32) -> (i32, i32) {
    %c0_i32 = arith.constant 0 : i32
    %c0_i32_0 = arith.constant 0 : i32
    %c0_i32_1 = arith.constant 0 : i32
    return %c0_i32, %c0_i32_0 : i32, i32
  }
  func.func @transform_15(%arg0: i32) -> (i32, i32) {
    %c0_i32 = arith.constant 0 : i32
    %c0_i32_0 = arith.constant 0 : i32
    %c0_i32_1 = arith.constant 0 : i32
    return %c0_i32, %c0_i32_0 : i32, i32
  }
  func.func @transform_16(%arg0: i32) -> (i32, i32) {
    %c0_i32 = arith.constant 0 : i32
    %c0_i32_0 = arith.constant 0 : i32
    return %arg0, %c0_i32 : i32, i32
  }
}

</mosaic_0001>

<sc_bundles>
// kernel: kernel.5.cloned.1.call-start
scs
__scs_entry_jumppad:
0x0: {  	(pc) =	sbr.rel $0x88, $3  }
0x1: {  	(tag) =	ssettag $0x0;
	lr =	simm.s32 $0x1  }
0x2: {  	[smem:$0x3F93] =	sst lr;
	_ =	strace $0xD0000000  }
0x3: {  	_ = 	snop  }
0x4: {  	_ = 	snop  }
0x5: {  	_ = 	snop  }
0x6: {  	_ = 	snop  }
0x7: {  	_ = 	snop  }
__scs_overlays_trampoline_lowered:
0x8: {  	[smem:$0x3FA2] =	sst s0  }
0x9: {  	[smem:$0x3FA3] =	sst s1  }
0xa: {  	[smem:$0x3FA4] =	sst s2  }
0xb: {  	[smem:$0x3FA5] =	sst s3  }
0xc: {  	[smem:$0x3FA6] =	sst s4  }
0xd: {  	[smem:$0x3FA7] =	sst s5  }
0xe: {  	[smem:$0x3FA8] =	sst s6  }
0xf: {  	[smem:$0x3FA9] =	sst s7  }
0x10: {  	[smem:$0x3FAA] =	sst s8  }
0x11: {  	[smem:$0x3FAB] =	sst s9;
	s0 =	simm.s32 @!p0 $0x0  }
0x12: {  	s1 =	sld [smem:$0x3F91];
	s0 =	simm.s32 @p0 $0x1  }
0x13: {  	[smem:$0x3FAC] =	sst s0;
	s0 =	simm.s32 @!p1 $0x0  }
0x14: {  	s2 =	sld [smem:$0x3F90];
	s0 =	simm.s32 @p1 $0x1  }
0x15: {  	[smem:$0x3FAD] =	sst s0;
	s0 =	simm.s32 @!p2 $0x0  }
0x16: {  	s3 =	sld [smem:$0x3FDB];
	s0 =	simm.s32 @p2 $0x1  }
0x17: {  	s4 =	simm.s32 $0x1BF5;
	[smem:$0x3FAF] =	sst s0  }
0x18: {  	s0 =	sld [smem:$0x3F92];
	_ =	swait.ge [sflag:s4], $0x0  }
0x19: {  	s7 =	sld [smem:$0x3F93]  }
0x1a: {  	s8 =	sadd.s32 $0xFFFFE003, lr  }
0x1b: {  	s9 =	sadd.s32 $0xFFFFFEF7, lr;
	s5 =	simm.s32 $0xFFFFFFFF;
	p2 =	slt.u32 s8, $0xFFFFF086  }
0x1c: {  	p1 =	slt.u32 s9, $0xF7A;
	s5 =	simm.s32 @!p2 $0x0  }
0x1d: {  	s5 =	simm.s32 @p1 $0x1;
	p0 =	seq.s32 s7, s2  }
0x1e: {  	s7 =	smul.u32 @!p0 $0xF7A, s2;
	p2 =	seq.s32 @!p0 s5, $0x0  }
0x1f: {  	s9 =	smul.u32 $0xF7A, s1;
	s8 =	simm.s32 @!p0 $0x1BF5;
	p2 =	por !p2, p0  }
0x20: {  	[sflag:s8] =	ssyncset.s32 @!p0 $0xFFFFF086;
	s6 =	sadd.s32 @!p0 s3, s7;
	s7 =	simm.s32 @!p0 $0x108  }
0x21: {  	s3 =	sadd.s32 s3, s9;
	s6 =	sadd.s32 @!p0 $0x88, s6;
	s7 =	simm.s32 @p2 $0x1082  }
0x22: {  	[simem:s7], [sflag:s8] =	dma.local @!p0 [hbm:s6], $0xF7A  }
0x23: {  	s9 =	sor.u32 $0xD0000000, s2;
	s6 =	simm.s32 $0x108;
	_ =	swait.ge @!p0 [sflag:s8], $0x0  }
0x24: {  	s3 =	sadd.s32 $0x88, s3;
	s6 =	simm.s32 @!p1 $0x1082;
	[sflag:s4] =	ssyncset.s32 $0xFFFFF086  }
0x25: {  	[simem:s6], [sflag:s4] =	dma.local [hbm:s3], $0xF7A  }
0x26: {  	[smem:$0x3F93] =	sst s1;
	(tag) =	ssettag s2;
	_ =	strace s9  }
0x27: {  	s1 =	sld [smem:$0x3FA3]  }
0x28: {  	s2 =	sld [smem:$0x3FA4]  }
0x29: {  	s4 =	sld [smem:$0x3FA6]  }
0x2a: {  	p0 =	seq.s32 s5, $0x0;
	s5 =	sld [smem:$0x3FA7]  }
0x2b: {  	s6 =	sld [smem:$0x3FA8]  }
0x2c: {  	s7 =	sld [smem:$0x3FA9]  }
0x2d: {  	s3 =	simm.s32 $0x108;
	s8 =	sld [smem:$0x3FAA]  }
0x2e: {  	s3 =	simm.s32 @!p0 $0x1082;
	s9 =	sld [smem:$0x3FAB]  }
0x2f: {  	lr =	sadd.s32 s0, s3;
	s0 =	sld [smem:$0x3FA2]  }
0x30: {  	s3 =	sld [smem:$0x3FA5]  }
0x31: {  	[smem:$0x3FAE] =	sst s10  }
0x32: {  	s10 =	sld [smem:$0x3FAC];
	_ =	sdelay $0x3  }
0x33: {  	p0 =	seq.s32 s10, $0x1;
	s10 =	sld [smem:$0x3FAE];
	_ =	sdelay $0x3  }
0x34: {  	[smem:$0x3FAE] =	sst s10  }
0x35: {  	s10 =	sld [smem:$0x3FAD];
	_ =	sdelay $0x3  }
0x36: {  	p1 =	seq.s32 s10, $0x1;
	s10 =	sld [smem:$0x3FAE];
	_ =	sdelay $0x3  }
0x37: {  	[smem:$0x3FAE] =	sst s10  }
0x38: {  	s10 =	sld [smem:$0x3FAF]  }
0x39: {  	_ = 	snop;
	(pc) =	sbr.ind lr, $3  }
0x3a: {  	_ = 	snop  }
0x3b: {  	_ = 	snop  }
0x3c: {  	p2 =	seq.s32 s10, $0x1;
	s10 =	sld [smem:$0x3FAE]  }
0x3d: {  	_ =	shalt  }
0x3e: {  	_ =	shalt  }
0x3f: {  	_ =	shalt  }
0x40: {  	_ =	shalt  }
0x41: {  	_ =	shalt  }
0x42: {  	_ =	shalt  }
0x43: {  	_ =	shalt  }
0x44: {  	_ =	shalt  }
0x45: {  	_ =	shalt  }
0x46: {  	_ =	shalt  }
0x47: {  	_ =	shalt  }
0x48: {  	_ =	shalt  }
0x49: {  	_ =	shalt  }
0x4a: {  	_ =	shalt  }
0x4b: {  	_ =	shalt  }
0x4c: {  	_ =	shalt  }
0x4d: {  	_ =	shalt  }
0x4e: {  	_ =	shalt  }
0x4f: {  	_ =	shalt  }
0x50: {  	_ =	shalt  }
0x51: {  	_ =	shalt  }
0x52: {  	_ =	shalt  }
0x53: {  	_ =	shalt  }
0x54: {  	_ =	shalt  }
0x55: {  	_ =	shalt  }
0x56: {  	_ =	shalt  }
0x57: {  	_ =	shalt  }
0x58: {  	_ =	shalt  }
0x59: {  	_ =	shalt  }
0x5a: {  	_ =	shalt  }
0x5b: {  	_ =	shalt  }
0x5c: {  	_ =	shalt  }
0x5d: {  	_ =	shalt  }
0x5e: {  	_ =	shalt  }
0x5f: {  	_ =	shalt  }
0x60: {  	_ =	shalt  }
0x61: {  	_ =	shalt  }
0x62: {  	_ =	shalt  }
0x63: {  	_ =	shalt  }
0x64: {  	_ =	shalt  }
0x65: {  	_ =	shalt  }
0x66: {  	_ =	shalt  }
0x67: {  	_ =	shalt  }
0x68: {  	_ =	shalt  }
0x69: {  	_ =	shalt  }
0x6a: {  	_ =	shalt  }
0x6b: {  	_ =	shalt  }
0x6c: {  	_ =	shalt  }
0x6d: {  	_ =	shalt  }
0x6e: {  	_ =	shalt  }
0x6f: {  	_ =	shalt  }
0x70: {  	_ =	shalt  }
0x71: {  	_ =	shalt  }
0x72: {  	_ =	shalt  }
0x73: {  	_ =	shalt  }
0x74: {  	_ =	shalt  }
0x75: {  	_ =	shalt  }
0x76: {  	_ =	shalt  }
0x77: {  	_ =	shalt  }
0x78: {  	_ =	shalt  }
0x79: {  	_ =	shalt  }
0x7a: {  	_ =	shalt  }
0x7b: {  	_ =	shalt  }
0x7c: {  	_ =	shalt  }
0x7d: {  	_ =	shalt  }
0x7e: {  	_ =	shalt  }
0x7f: {  	_ =	shalt  }
0x80: {  	_ =	shalt  }
0x81: {  	_ =	shalt  }
0x82: {  	_ =	shalt  }
0x83: {  	_ =	shalt  }
0x84: {  	_ =	shalt  }
0x85: {  	_ =	shalt  }
0x86: {  	_ =	shalt  }
0x87: {  	_ =	shalt  }
.Lfunc_end0:
.L_simem_size_0:
called_computation_lowered:
.L_overlay_start_0:
0x88: {  	s2 =	sld [smem:$0x3FD9]  }
0x89: {  	s3 =	sld [smem:$0x3FFE];
	_ =	sdelay $0x1  }
0x8a: {  	s1 =	srdreg.scid  }
0x8b: {  	s0 =	sand.u32 $0x1, s1  }
0x8c: {  	s17 =	sshll.u32 s0, $0xA;
	s2 =	sadd.s32 s3, s2  }
0x8d: {  	s2 =	sadd.s32 s2, s17  }
0x8e: {  	[smem:$0x3FBA] =	sst s2  }
0x8f: {  	_ = 	snop  }
0x90: {  	s2 =	sld [smem:$0x3FD0];
	(tm) =	ssettm $0x1  }
0x91: {  	s18 =	sld [smem:$0x3FFB];
	_ =	sdelay $0x3  }
0x92: {  	_ =	strace s18  }
0x93: {  	s3 =	sld [smem:$0x3FFC];
	_ =	sdelay $0x3  }
0x94: {  	_ =	strace s3  }
0x95: {  	s3 =	sld [smem:$0x3FFD];
	_ =	sdelay $0x3  }
0x96: {  	_ =	strace s3  }
0x97: {  	_ =	strace $0x8FFFFFFF  }
0x98: {  	s19 =	sld [smem:$0x3FDB];
	_ =	sdelay $0x1  }
0x99: {  	s4 =	simm.s32 $_scs_section_size  }
0x9a: {  	s5 =	simm.s32 $_size__tile_overlayer_lowered;
	s6 =	simm.s32 $_tile_overlayer_lowered  }
0x9b: {  	s22 =	simm.s32 $0x1BFF;
	s21 =	sshll.u32 s6, $0x1;
	s3 =	sadd.s32 s4, s19  }
0x9c: {  	s7 =	simm.s32 $0x0;
	s20 =	sshll.u32 s5, $0x1;
	s5 =	sadd.s32 s21, s3  }
0x9d: {  	[timem:s7], [sflag:s22] =	dma.local [hbm:s5], s20  }
0x9e: {  	_ =	swait.ge [sflag:s22], s20  }
0x9f: {  	s4 =	ssub.s32 $0x0, s20;
	[sflag:s22] =	ssyncset.done $0x0  }
0xa0: {  	[sflag:s22] =	ssyncadd.s32 s4;
	_ =	sdelay $0x1  }
0xa1: {  	s23 =	simm.s32 $0x1B8B  }
0xa2: {  	_ =	swait.ge [sflag:s23], $0x1  }
0xa3: {  	[sflag:s23] =	ssyncset.done $0x0  }
0xa4: {  	s25 =	simm.s32 $0x1B8E;
	s24 =	sld [smem:$0x3FFE];
	[sflag:s23] =	ssyncadd.s32 $0xFFFFFFFF  }
0xa5: {  	s26 =	simm.s32 $execute0_lowered;
	[smem:$0x3FD2] =	sst s25  }
0xa6: {  	s5 =	sshll.u32 s26, $0x1;
	_ =	strace $0x80000046;
	[dreg:$0x1] =	wrdreg $0xFFFFFFFF  }
0xa7: {  	s28 =	simm.s32 $_size_execute0_lowered;
	s3 =	sadd.s32 s3, s5;
	[dreg:$0x0] =	wrdreg $0x0  }
0xa8: {  	s5 =	sshll.u32 s28, $0x1;
	[dreg:$0x2] =	wrdreg s3  }
0xa9: {  	[dreg:$0x3] =	wrdreg s5  }
0xaa: {  	[dreg:$0x4] =	wrdreg $0xC0  }
0xab: {  	_ =	task [dreg:s7], $0x5FFFF  }
0xac: {  	[dreg:$0x1] =	wrdreg $0xFFFFFFFF  }
0xad: {  	[dreg:$0x0] =	wrdreg $0x60  }
0xae: {  	[dreg:$0x2] =	wrdreg s24  }
0xaf: {  	[dreg:$0x3] =	wrdreg s2  }
0xb0: {  	[dreg:$0x4] =	wrdreg $0xCE000  }
0xb1: {  	[dreg:$0x5] =	wrdreg $0x11E000  }
0xb2: {  	[dreg:$0x6] =	wrdreg $0x9  }
0xb3: {  	_ =	task.clear_ibuf [dreg:s7], $0x7FFFF;
	_ =	strace $0x90000046  }
0xb4: {  	s29 =	simm.s32 $0x9;
	_ =	strace $0x80000048  }
0xb5: {  	_ =	swait.ge [sflag:s29], $0x1  }
0xb6: {  	[sflag:s29] =	ssyncadd.s32 $0xFFFFFFFF  }
0xb7: {  	_ =	strace $0x90000048  }
0xb8: {  	_ =	sfence  }
0xb9: {  	s30 =	sld [smem:$0x0];
	_ =	sdelay $0x2  }
0xba: {  	s31 =	sshll.u32 s1, $0xD;
	s1 =	sshrl.u32 s1, $0x2  }
0xbb: {  	s3 =	sand.u32 $0x4000, s31;
	s1 =	sadd.s32 s1, s30  }
0xbc: {  	s0 =	sor.u32 s3, s0;
	s1 =	sshll.u32 s1, $0x11  }
0xbd: {  	s0 =	sor.u32 s1, s0  }
0xbe: {  	s0 =	sadd.s32 $0x8F2B, s0  }
0xbf: {  	[sflag:s0] =	ssyncadd.remote.s32 $0x1  }
0xc0: {  	_ =	sfence.sel $0xFFFF  }
0xc1: {  	[dreg:$0x0] =	wrdreg $0xFFFFFFFF;
	(pc) =	sbr.abs _section_cstart, $3  }
0xc2: {  	[dreg:$0x1] =	wrdreg $0xFFFFFFFF  }
0xc3: {  	_ =	task.clear_ibuf [dreg:s7], $0x2FFFF;
	_ =	strace $0x9FFFFFFF  }
0xc4: {  	(tm) =	ssettm $0x7FFFFFFF  }
0xc5: {  	_ =	shalt  }
tec
execute0_lowered:
.L_overlay_start_1:
0x0: {  	(tag) =	ssettag $0x1  }
0x1: {  	s0 =	rddreg [dreg:$0x0]  }
0x2: {  	s2 =	rddreg [dreg:$0x1]  }
0x3: {  	s1 =	rddreg [dreg:$0x2];
	s4 =	srdreg.scid  }
0x4: {  	s3 =	rddreg [dreg:$0x3];
	s12 =	stileid.u32  }
0x5: {  	s28 =	simm.s32 $0xBE00;
	s30 =	simm.s32 $0x80;
	s7 =	smul.u32 $0x4F00, s12  }
0x6: {  	s31 =	simm.s32 $0xAE00;
	s29 =	simm.s32 $0x9D00;
	s24 =	smul.u32 $0x2800, s12  }
0x7: {  	s5 =	sand.u32 $0x1, s4;
	s4 =	simm.s32 $0x0;
	s18 =	smul.u32 $0xA000, s12  }
0x8: {  	s8 =	sadd.s32 $0x2600, s0;
	s9 =	sadd.s32 $0x2A000, s0;
	s17 =	smul.u32 $0x280, s12  }
0x9: {  	s25 =	sadd.s32 $0x29E00, s0;
	s6 =	smul.u32 $0x9C40, s5;
	[smem:$0x7FF] =	sst s4  }
0xa: {  	s26 =	ssub.s32 $0x2, s5;
	_ =	strace $0x80000047;
	[dreg:$0x5] =	wrdreg s8  }
0xb: {  	p0 =	sne.s32 s5, $0x0;
	s7 =	sshrl.u32 s7, $0x3;
	[dreg:$0x6] =	wrdreg s9  }
0xc: {  	[dreg:$0x7] =	wrdreg s25;
	s10 =	sshrl.u32 s24, $0x3;
	s11 =	sshrl.u32 s26, $0x1  }
0xd: {  	s12 =	sshrl.u32 s18, $0x1;
	s13 =	sadd.s32 $0x80, s17;
	s15 =	sadd.s32 $0x100, s17  }
0xe: {  	s20 =	sadd.s32 $0x180, s17;
	s6 =	sadd.s32 s6, s0;
	s7 =	sadd.s32 s7, s0  }
0xf: {  	s0 =	sadd.s32 s10, s0;
	s23 =	ssub.s32 s26, s11;
	s10 =	sadd.s32 s12, s1  }
0x10: {  	s14 =	sshll.u32 s13, $0x5;
	s16 =	sshll.u32 s15, $0x5;
	s19 =	sshll.u32 s15, $0x4  }
0x11: {  	s21 =	sshll.u32 s20, $0x5;
	s22 =	sshll.u32 s20, $0x4;
	s11 =	sadd.s32 $0x2800, s7  }
0x12: {  	s7 =	sadd.s32 $0xC600, s7;
	s12 =	sadd.s32 s14, s1;
	s14 =	sadd.s32 s16, s1  }
0x13: {  	s15 =	sadd.s32 s19, s3;
	s19 =	smul.u32 $0xA0000, s5;
	s16 =	sadd.s32 s21, s1  }
0x14: {  	s20 =	sadd.s32 $0x16400, s6;
	s23 =	smax.u32 s23, $0x1;
	[dreg:$0x8] =	wrdreg s11  }
0x15: {  	s5 =	simm.s32 $0x9D80;
	s6 =	simm.s32 $0x0;
	[dreg:$0x9] =	wrdreg s7  }
0x16: {  	s11 =	sadd.s32 s24, s3;
	s7 =	sshll.u32 s13, $0x4;
	s24 =	sadd.s32 $0x200, s17  }
0x17: {  	s17 =	sadd.s32 s22, s3;
	s22 =	sadd.s32 $0x2A200, s0;
	s0 =	simm.s32 $0x1  }
0x18: {  	s13 =	sadd.s32 s7, s3;
	s25 =	sadd.s32 s18, s19;
	s26 =	sshll.u32 s24, $0x5  }
0x19: {  	s8 =	sshll.u32 s24, $0x4;
	s24 =	simm.s32 $0x9E00;
	s18 =	sadd.s32 s26, s1  }
0x1a: {  	s7 =	sshrl.u32 s25, $0x4;
	s19 =	sadd.s32 s8, s3;
	s25 =	simm.s32 $0x3  }
0x1b: {  	s26 =	simm.s32 $0xC600;
	s21 =	sadd.s32 s2, s7;
	s2 =	simm.s32 $0x2  }
.LBB2_1:
0x1c: {  	s7 =	rddreg [dreg:$0x5]  }
0x1d: {  	[tilespmem:s24], [sflag:$0x3] =	stream.linear.gather [hbm4b:s7+s4], $0x1000, $0x38;
	[tilespmem:$0x14600] =	vst v63  }
0x1e: {  	_ =	swait.ge [sflag:s25], $0x1000  }
0x1f: {  	[sflag:s25] =	ssyncset.done $0x0  }
0x20: {  	s8 =	rddreg [dreg:$0x6];
	[sflag:s25] =	ssyncadd.s32 $0xFFFFF000  }
0x21: {  	[tilespmem:s26], [sflag:$0x3] =	stream.linear.gather [hbm4b:s8+s4], $0x800, $0x38;
	[tilespmem:$0x14600] =	vst v63  }
0x22: {  	_ =	swait.ge [sflag:s25], $0x800  }
0x23: {  	[sflag:s25] =	ssyncset.done $0x0  }
0x24: {  	s9 =	rddreg [dreg:$0x7];
	[sflag:s25] =	ssyncadd.s32 $0xFFFFF800  }
0x25: {  	[tilespmem:s28], [sflag:$0x3] =	stream.linear.gather [hbm4b:s9+s4], $0x800, $0x38;
	[tilespmem:$0x14600] =	vst v63  }
0x26: {  	_ =	swait.ge [sflag:s25], $0x800  }
0x27: {  	[sflag:s25] =	ssyncset.done $0x0  }
0x28: {  	s8 =	rddreg [dreg:$0x8];
	[sflag:s25] =	ssyncadd.s32 $0xFFFFF800  }
0x29: {  	[tilespmem:s4], [sflag:$0x3] =	stream.linear.gather [hbm4b:s8+s4], $0x4F00, $0x38;
	[tilespmem:$0x14600] =	vst v63  }
0x2a: {  	_ =	swait.ge [sflag:s25], $0x4F00  }
0x2b: {  	[sflag:s25] =	ssyncset.done $0x0  }
0x2c: {  	s8 =	simm.s32 $0x4F00;
	s9 =	rddreg [dreg:$0x9];
	[sflag:s25] =	ssyncadd.s32 $0xFFFFB100  }
0x2d: {  	[tilespmem:s8], [sflag:$0x3] =	stream.linear.gather [hbm4b:s9+s4], $0x4F00, $0x38;
	[tilespmem:$0x14600] =	vst v63  }
0x2e: {  	_ =	swait.ge [sflag:s25], $0x4F00  }
0x2f: {  	[sflag:s25] =	ssyncset.done $0x0  }
0x30: {  	[sflag:s25] =	ssyncadd.s32 $0xFFFFB100  }
0x31: {  	[spmem:s10] =	stream.linear.scatter [tilespmem:s24], [sflag:$0x3], $0x1000, $0x38;
	[tilespmem:$0x14600] =	vst v63  }
0x32: {  	_ =	swait.ge [sflag:s25], $0x1000  }
0x33: {  	[sflag:s25] =	ssyncset.done $0x0  }
0x34: {  	[sflag:s25] =	ssyncadd.s32 $0xFFFFF000  }
0x35: {  	[spmem:s11] =	stream.linear.scatter [tilespmem:s26], [sflag:$0x3], $0x800, $0x38;
	[tilespmem:$0x14600] =	vst v63  }
0x36: {  	_ =	swait.ge [sflag:s25], $0x800  }
0x37: {  	[sflag:s25] =	ssyncset.done $0x0  }
0x38: {  	[sflag:s25] =	ssyncadd.s32 $0xFFFFF800  }
0x39: {  	[spmem:s12] =	stream.linear.scatter [tilespmem:s24], [sflag:$0x3], $0x1000, $0x38;
	[tilespmem:$0x14600] =	vst v63  }
0x3a: {  	_ =	swait.ge [sflag:s25], $0x1000  }
0x3b: {  	[sflag:s25] =	ssyncset.done $0x0  }
0x3c: {  	[sflag:s25] =	ssyncadd.s32 $0xFFFFF000  }
0x3d: {  	[spmem:s13] =	stream.linear.scatter [tilespmem:s26], [sflag:$0x3], $0x800, $0x38;
	[tilespmem:$0x14600] =	vst v63  }
0x3e: {  	_ =	swait.ge [sflag:s25], $0x800  }
0x3f: {  	[sflag:s25] =	ssyncset.done $0x0  }
0x40: {  	[sflag:s25] =	ssyncadd.s32 $0xFFFFF800  }
0x41: {  	[spmem:s14] =	stream.linear.scatter [tilespmem:s24], [sflag:$0x3], $0x1000, $0x38;
	[tilespmem:$0x14600] =	vst v63  }
0x42: {  	_ =	swait.ge [sflag:s25], $0x1000  }
0x43: {  	[sflag:s25] =	ssyncset.done $0x0  }
0x44: {  	[sflag:s25] =	ssyncadd.s32 $0xFFFFF000  }
0x45: {  	[spmem:s15] =	stream.linear.scatter [tilespmem:s26], [sflag:$0x3], $0x800, $0x38;
	[tilespmem:$0x14600] =	vst v63  }
0x46: {  	_ =	swait.ge [sflag:s25], $0x800  }
0x47: {  	[sflag:s25] =	ssyncset.done $0x0  }
0x48: {  	[sflag:s25] =	ssyncadd.s32 $0xFFFFF800  }
0x49: {  	[spmem:s16] =	stream.linear.scatter [tilespmem:s24], [sflag:$0x3], $0x1000, $0x38;
	[tilespmem:$0x14600] =	vst v63  }
0x4a: {  	_ =	swait.ge [sflag:s25], $0x1000  }
0x4b: {  	[sflag:s25] =	ssyncset.done $0x0  }
0x4c: {  	[sflag:s25] =	ssyncadd.s32 $0xFFFFF000  }
0x4d: {  	[spmem:s17] =	stream.linear.scatter [tilespmem:s26], [sflag:$0x3], $0x800, $0x38;
	[tilespmem:$0x14600] =	vst v63  }
0x4e: {  	_ =	swait.ge [sflag:s25], $0x800  }
0x4f: {  	[sflag:s25] =	ssyncset.done $0x0  }
0x50: {  	[sflag:s25] =	ssyncadd.s32 $0xFFFFF800  }
0x51: {  	[spmem:s18] =	stream.linear.scatter [tilespmem:s24], [sflag:$0x3], $0x1000, $0x38;
	[tilespmem:$0x14600] =	vst v63  }
0x52: {  	_ =	swait.ge [sflag:s25], $0x1000  }
0x53: {  	[sflag:s25] =	ssyncset.done $0x0  }
0x54: {  	[sflag:s25] =	ssyncadd.s32 $0xFFFFF000  }
0x55: {  	[spmem:s19] =	stream.linear.scatter [tilespmem:s26], [sflag:$0x3], $0x800, $0x38;
	[tilespmem:$0x14600] =	vst v63  }
0x56: {  	_ =	swait.ge [sflag:s25], $0x800  }
0x57: {  	[sflag:s25] =	ssyncset.done $0x0  }
0x58: {  	[sflag:s25] =	ssyncadd.s32 $0xFFFFF800  }
0x59: {  	[bflag:$0x0] =	sbarrier.arrive $0xFFFF  }
0x5a: {  	[tilespmem:s24], [sflag:$0x1] =	stream.indirect.gather [hbm4b:s20+s30], $0x20, s4, s30, $0xb8;
	[tilespmem:$0x14600] =	vst v63  }
0x5b: {  	_ = 	snop  }
0x5c: {  	[tilespmem:s31], [sflag:$0x2] =	stream.indirect.gather [hbm4b:s20+s30], $0x20, s30, s30, $0xb8;
	[tilespmem:$0x14600] =	vst v63  }
0x5d: {  	_ =	swait.ge [sflag:s0], $0x1000  }
0x5e: {  	[sflag:s0] =	ssyncset.done $0x0  }
0x5f: {  	s9 =	simm.s32 $0x4F00;
	[sflag:s0] =	ssyncadd.s32 $0xFFFFF000  }
0x60: {  	[spmem:s1] =	stream.indirect.scatter.add.bf16 [tilespmem:s24], [sflag:$0x3], $0x20, s9, s30, $0xb8;
	[tilespmem:$0x14600] =	vst v63  }
0x61: {  	_ =	swait.ge [sflag:s25], $0x1000  }
0x62: {  	[sflag:s25] =	ssyncset.done $0x0  }
0x63: {  	[sflag:s25] =	ssyncadd.s32 $0xFFFFF000  }
0x64: {  	[spmem:s3] =	stream.indirect.scatter.add.f32 [tilespmem:s28], [sflag:$0x3], $0x10, s9, s30, $0xb8;
	[tilespmem:$0x14600] =	vst v63  }
0x65: {  	_ =	swait.ge [sflag:s25], $0x800  }
0x66: {  	[sflag:s25] =	ssyncset.done $0x0  }
0x67: {  	s8 =	simm.s32 $0x100;
	[sflag:s25] =	ssyncadd.s32 $0xFFFFF800  }
0x68: {  	[tilespmem:s24], [sflag:$0x1] =	stream.indirect.gather [hbm4b:s20+s30], $0x20, s8, s30, $0xb8;
	[tilespmem:$0x14600] =	vst v63  }
0x69: {  	_ =	swait.ge [sflag:s2], $0x1000  }
0x6a: {  	[sflag:s2] =	ssyncset.done $0x0  }
0x6b: {  	s9 =	simm.s32 $0x4F80;
	[sflag:s2] =	ssyncadd.s32 $0xFFFFF000  }
0x6c: {  	[spmem:s1] =	stream.indirect.scatter.add.bf16 [tilespmem:s31], [sflag:$0x3], $0x20, s9, s30, $0xb8;
	[tilespmem:$0x14600] =	vst v63  }
0x6d: {  	_ =	swait.ge [sflag:s25], $0x1000  }
0x6e: {  	[sflag:s25] =	ssyncset.done $0x0  }
0x6f: {  	[sflag:s25] =	ssyncadd.s32 $0xFFFFF000  }
0x70: {  	[spmem:s3] =	stream.indirect.scatter.add.f32 [tilespmem:s28], [sflag:$0x3], $0x10, s9, s30, $0xb8;
	[tilespmem:$0x14600] =	vst v63  }
0x71: {  	_ =	swait.ge [sflag:s25], $0x800  }
0x72: {  	[sflag:s25] =	ssyncset.done $0x0  }
0x73: {  	s7 =	simm.s32 $0x400;
	s8 =	simm.s32 $0x180;
	[sflag:s25] =	ssyncadd.s32 $0xFFFFF800  }
.LBB2_2:
0x74: {  	[tilespmem:s31], [sflag:$0x2] =	stream.indirect.gather [hbm4b:s20+s30], $0x20, s8, s30, $0xb8;
	[tilespmem:$0x14600] =	vst v63  }
0x75: {  	s8 =	smov.u32 s7  }
0x76: {  	p1 =	sne.s32 s7, $0x13400;
	s7 =	sadd.s32 $0x400, s7;
	_ =	swait.ge [sflag:s0], $0x1000  }
0x77: {  	s8 =	sshra.s32 s8, $0x2;
	[sflag:s0] =	ssyncset.done $0x0  }
0x78: {  	s9 =	sadd.s32 $0x4F00, s8;
	[sflag:s0] =	ssyncadd.s32 $0xFFFFF000  }
0x79: {  	[spmem:s1] =	stream.indirect.scatter.add.bf16 [tilespmem:s24], [sflag:$0x3], $0x20, s9, s30, $0xb8;
	[tilespmem:$0x14600] =	vst v63  }
0x7a: {  	_ =	swait.ge [sflag:s25], $0x1000  }
0x7b: {  	[sflag:s25] =	ssyncset.done $0x0  }
0x7c: {  	[sflag:s25] =	ssyncadd.s32 $0xFFFFF000  }
0x7d: {  	[spmem:s3] =	stream.indirect.scatter.add.f32 [tilespmem:s28], [sflag:$0x3], $0x10, s9, s30, $0xb8;
	[tilespmem:$0x14600] =	vst v63  }
0x7e: {  	_ =	swait.ge [sflag:s25], $0x800  }
0x7f: {  	[sflag:s25] =	ssyncset.done $0x0  }
0x80: {  	s9 =	sadd.s32 $0x100, s8;
	[sflag:s25] =	ssyncadd.s32 $0xFFFFF800  }
0x81: {  	[tilespmem:s24], [sflag:$0x1] =	stream.indirect.gather [hbm4b:s20+s30], $0x20, s9, s30, $0xb8;
	[tilespmem:$0x14600] =	vst v63  }
0x82: {  	_ =	swait.ge [sflag:s2], $0x1000  }
0x83: {  	[sflag:s2] =	ssyncset.done $0x0  }
0x84: {  	s9 =	sadd.s32 $0x4F80, s8;
	[sflag:s2] =	ssyncadd.s32 $0xFFFFF000  }
0x85: {  	[spmem:s1] =	stream.indirect.scatter.add.bf16 [tilespmem:s31], [sflag:$0x3], $0x20, s9, s30, $0xb8;
	[tilespmem:$0x14600] =	vst v63  }
0x86: {  	_ =	swait.ge [sflag:s25], $0x1000  }
0x87: {  	[sflag:s25] =	ssyncset.done $0x0  }
.Ltmp0:
0x88: {  	[sflag:s25] =	ssyncadd.s32 $0xFFFFF000;
	(pc) =	sbr.rel @p1 .LBB2_2-.Ltmp0, $4  }
0x89: {  	[spmem:s3] =	stream.indirect.scatter.add.f32 [tilespmem:s28], [sflag:$0x3], $0x10, s9, s30, $0xb8;
	[tilespmem:$0x14600] =	vst v63  }
0x8a: {  	_ =	swait.ge [sflag:s25], $0x800  }
0x8b: {  	[sflag:s25] =	ssyncset.done $0x0  }
0x8c: {  	s8 =	sadd.s32 $0x180, s8;
	[sflag:s25] =	ssyncadd.s32 $0xFFFFF800  }
0x8d: {  	[tilespmem:s31], [sflag:$0x2] =	stream.indirect.gather [hbm4b:s20+s30], $0x20, s8, s30, $0xb8;
	[tilespmem:$0x14600] =	vst v63  }
0x8e: {  	_ =	swait.ge [sflag:s0], $0x1000  }
0x8f: {  	[sflag:s0] =	ssyncset.done $0x0  }
0x90: {  	[sflag:s0] =	ssyncadd.s32 $0xFFFFF000  }
0x91: {  	[spmem:s1] =	stream.indirect.scatter.add.bf16 [tilespmem:s24], [sflag:$0x3], $0x20, s29, s30, $0xb8;
	[tilespmem:$0x14600] =	vst v63  }
0x92: {  	_ =	swait.ge [sflag:s25], $0x1000  }
0x93: {  	[sflag:s25] =	ssyncset.done $0x0  }
0x94: {  	[sflag:s25] =	ssyncadd.s32 $0xFFFFF000  }
0x95: {  	[spmem:s3] =	stream.indirect.scatter.add.f32 [tilespmem:s28], [sflag:$0x3], $0x10, s29, s30, $0xb8;
	[tilespmem:$0x14600] =	vst v63  }
0x96: {  	_ =	swait.ge [sflag:s25], $0x800  }
0x97: {  	[sflag:s25] =	ssyncset.done $0x0  }
0x98: {  	[sflag:s25] =	ssyncadd.s32 $0xFFFFF800  }
0x99: {  	_ =	swait.ge [sflag:s2], $0x1000  }
0x9a: {  	[sflag:s2] =	ssyncset.done $0x0  }
0x9b: {  	[sflag:s2] =	ssyncadd.s32 $0xFFFFF000  }
0x9c: {  	[spmem:s1] =	stream.indirect.scatter.add.bf16 [tilespmem:s31], [sflag:$0x3], $0x20, s5, s30, $0xb8;
	[tilespmem:$0x14600] =	vst v63  }
0x9d: {  	_ =	swait.ge [sflag:s25], $0x1000  }
0x9e: {  	[sflag:s25] =	ssyncset.done $0x0  }
0x9f: {  	[sflag:s25] =	ssyncadd.s32 $0xFFFFF000  }
0xa0: {  	[spmem:s3] =	stream.indirect.scatter.add.f32 [tilespmem:s28], [sflag:$0x3], $0x10, s5, s30, $0xb8;
	[tilespmem:$0x14600] =	vst v63  }
0xa1: {  	_ =	swait.ge [sflag:s25], $0x800  }
0xa2: {  	s7 =	stileid.u32;
	[sflag:s25] =	ssyncset.done $0x0  }
0xa3: {  	s7 =	sshll.u32 s7, $0x6;
	[sflag:s25] =	ssyncadd.s32 $0xFFFFF800  }
0xa4: {  	s9 =	sshrl.u32 s10, $0x3;
	s7 =	sor.u32 $0x1C03, s7;
	[bflag:$0x0] =	sbarrier.arrive $0xFFFF  }
0xa5: {  	[hbm:s21], [sflag:s7] =	dma.local [spmem:s9], $0xA00  }
0xa6: {  	_ =	swait.ge [sflag:s25], $0xA00  }
0xa7: {  	s6 =	sadd.s32 $0x1, s6;
	[sflag:s25] =	ssyncset.done $0x0  }
0xa8: {  	s8 =	sshrl.u32 @!p0 s11, $0x3;
	p1 =	sne.s32 s6, s23;
	[sflag:s25] =	ssyncadd.s32 $0xFFFFF600  }
0xa9: {  	[hbm:s22], [sflag:s7] =	dma.local @!p0 [spmem:s8], $0x500  }
.Ltmp1:
0xaa: {  	_ = 	snop;
	(pc) =	sbr.rel @p1 .LBB2_1-.Ltmp1, $4  }
0xab: {  	s7 =	simm.s32 @!p0 $0x3  }
0xac: {  	_ =	swait.ge @!p0 [sflag:s7], $0x500  }
0xad: {  	[sflag:s7] =	ssyncset.done @!p0 $0x0  }
0xae: {  	[sflag:s7] =	ssyncadd.s32 @!p0 $0xFFFFFB00  }
0xaf: {  	_ =	sfence.sel $0x180000  }
0xb0: {  	[bflag:$0x0] =	sbarrier.arrive $0xFFFF  }
0xb1: {  	_ =	strace $0x90000047  }
0xb2: {  	s0 =	stileid.u32;
	[bflag:$0x2] =	sbarrier.arrive $0xFFFF  }
0xb3: {  	p0 =	sne.s32 s0, $0x0;
	s0 =	rddreg [dreg:$0x4]  }
0xb4: {  	s0 =	sadd.s32 @!p0 $0x100000, s0  }
0xb5: {  	[sflag:s0] =	ssyncadd.tile.s32 @!p0 $0x1;
	_ =	shalt  }
.Lfunc_end2:
_tile_overlayer_lowered:
.L_overlay_start_2:
0xb6: {  	(tag) =	ssettag $0x2  }
0xb7: {  	s0 =	rddreg [dreg:$0x0];
	s2 =	stileid.u32  }
0xb8: {  	s1 =	rddreg [dreg:$0x1];
	p0 =	sne.s32 s2, $0x0  }
0xb9: {  	s3 =	rddreg [dreg:$0x2];
	[bflag:$0x3] =	sbarrier.arrive $0xFFFF;
	s2 =	simm.s32 @!p0 $0x1C03  }
0xba: {  	[timem:s3], [sflag:s2] =	dma.local @!p0 [hbm:s0], s1  }
0xbb: {  	s0 =	simm.s32 @!p0 $0x3  }
0xbc: {  	_ =	swait.ge @!p0 [sflag:s0], s1  }
0xbd: {  	s1 =	ssub.s32 @!p0 $0x0, s1;
	[sflag:s0] =	ssyncset.done @!p0 $0x0  }
0xbe: {  	[sflag:s0] =	ssyncadd.s32 @!p0 s1  }
0xbf: {  	[bflag:$0x3] =	sbarrier.arrive $0xFFFF  }
0xc0: {  	_ =	shalt  }

</sc_bundles>
